<compile_context>
chip_gen: v7x
topology: tpu7x:2x2x1
jax: 0.10.2.dev20260603
libtpu: 0.0.44.dev20260713+nightly
codegen_flags: <defaults>
</compile_context>

<pallas_src>
import functools

import jax
import jax.numpy as jnp
from jax import lax
from jax.experimental import pallas as pl
from jax.experimental.pallas import tpu as pltpu
from jax.experimental.pallas import tpu_sc as plsc

_NC = 2
_NS = 16
_B = 16
_Q = 300
_QP = 384
_C = 92
_L = 16
_G = 10


def _combine(ma, la, mb, lb):
    m = jnp.maximum(ma, mb)
    l = jnp.where(mb > ma, lb, la)
    return m, jnp.where(mb == ma, jnp.minimum(la, lb), l)


def _sc_body(lt_hbm, sclb_hbm, lslab, sslab, llab):
    wid = lax.axis_index("s") * _NC + lax.axis_index("c")
    b = wid // 2
    half = wid % 2
    @pl.when(half == 0)
    def _():
        pltpu.sync_copy(lt_hbm.at[:, b, pl.ds(0, _G * _L)], lslab)

    @pl.when(half == 1)
    def _():
        pltpu.sync_copy(lt_hbm.at[:, b, pl.ds(144, _G * _L)], lslab)

    zeros = jnp.zeros((_L,), jnp.float32)
    neg = jnp.full((_L,), -jnp.inf, jnp.float32)

    def group(g, carry):
        qo = pl.multiple_of(g * _L, _L)

        def p1(i, acc):
            m0, m1, m2, m3, l0, l1, l2, l3, cf = acc
            c = i * 4
            v0 = lslab[c, pl.ds(qo, _L)]
            v1 = lslab[c + 1, pl.ds(qo, _L)]
            v2 = lslab[c + 2, pl.ds(qo, _L)]
            v3 = lslab[c + 3, pl.ds(qo, _L)]
            l0 = jnp.where(v0 > m0, cf, l0)
            l1 = jnp.where(v1 > m1, cf + 1.0, l1)
            l2 = jnp.where(v2 > m2, cf + 2.0, l2)
            l3 = jnp.where(v3 > m3, cf + 3.0, l3)
            return (
                jnp.maximum(m0, v0), jnp.maximum(m1, v1),
                jnp.maximum(m2, v2), jnp.maximum(m3, v3),
                l0, l1, l2, l3, cf + 4.0,
            )

        init = (neg, neg, neg, neg, zeros, zeros, zeros, zeros, zeros)
        m0, m1, m2, m3, l0, l1, l2, l3, cf = lax.fori_loop(0, 22, p1, init)
        v0 = lslab[88, pl.ds(qo, _L)]
        v1 = lslab[89, pl.ds(qo, _L)]
        v2 = lslab[90, pl.ds(qo, _L)]
        l0 = jnp.where(v0 > m0, cf, l0)
        l1 = jnp.where(v1 > m1, cf + 1.0, l1)
        l2 = jnp.where(v2 > m2, cf + 2.0, l2)
        m0 = jnp.maximum(m0, v0)
        m1 = jnp.maximum(m1, v1)
        m2 = jnp.maximum(m2, v2)
        ma, la = _combine(m0, l0, m1, l1)
        mb, lb = _combine(m2, l2, m3, l3)
        m91, lbl = _combine(ma, la, mb, lb)
        mall = jnp.maximum(m91, lslab[91, pl.ds(qo, _L)])

        def p2(i, acc):
            s0, s1, s2, s3 = acc
            c = i * 4
            return (
                s0 + jnp.exp(lslab[c, pl.ds(qo, _L)] - mall),
                s1 + jnp.exp(lslab[c + 1, pl.ds(qo, _L)] - mall),
                s2 + jnp.exp(lslab[c + 2, pl.ds(qo, _L)] - mall),
                s3 + jnp.exp(lslab[c + 3, pl.ds(qo, _L)] - mall),
            )

        s0, s1, s2, s3 = lax.fori_loop(0, 23, p2, (zeros, zeros, zeros, zeros))
        s = (s0 + s1) + (s2 + s3)
        sslab[pl.ds(qo, _L)] = jnp.exp(m91 - mall) / s
        llab[pl.ds(qo, _L)] = lbl
        return carry

    lax.fori_loop(0, _G, group, 0)

    @pl.when(half == 0)
    def _():
        pltpu.sync_copy(sslab, sclb_hbm.at[0, b, pl.ds(0, _G * _L)])
        pltpu.sync_copy(llab, sclb_hbm.at[1, b, pl.ds(0, _G * _L)])

    @pl.when(half == 1)
    def _():
        pltpu.sync_copy(sslab, sclb_hbm.at[0, b, pl.ds(144, _G * _L)])
        pltpu.sync_copy(llab, sclb_hbm.at[1, b, pl.ds(144, _G * _L)])


_sc_softmax = functools.partial(
    pl.kernel,
    mesh=plsc.VectorSubcoreMesh(core_axis_name="c", subcore_axis_name="s"),
    out_type=jax.ShapeDtypeStruct((2, _B, _QP), jnp.float32),
    compiler_params=pltpu.CompilerParams(
        use_tc_tiling_on_sc=False, needs_layout_passes=False
    ),
    scratch_types=[
        pltpu.VMEM((_C, _G * _L), jnp.float32),
        pltpu.VMEM((_G * _L,), jnp.float32),
        pltpu.VMEM((_G * _L,), jnp.float32),
    ],
)(_sc_body)


def _tc_body(bt_ref, sclb_ref, tsf_ref, conf_ref, *out_refs):
    bt = bt_ref[...]
    tsf = tsf_ref[...]
    cx = bt[:, 0, :]
    cy = bt[:, 1, :]
    w = bt[:, 2, :]
    h = bt[:, 3, :]
    img_h = tsf[:, 0:1]
    img_w = tsf[:, 1:2]
    y1 = (cy - 0.5 * h) * img_h
    x1 = (cx - 0.5 * w) * img_w
    y2 = (cy + 0.5 * h) * img_h
    x2 = (cx + 0.5 * w) * img_w
    sclb = sclb_ref[...]
    conf = conf_ref[0, 0]
    for i in range(_B):
        sc = jnp.reshape(sclb[3 * i:3 * i + 3, :], (_QP,))[:_Q]
        lb = jnp.reshape(sclb[48 + 3 * i:48 + 3 * i + 3, :], (_QP,))[:_Q]
        keep = sc > conf
        leaf = jnp.stack([y1[i], x1[i], y2[i], x2[i], sc, lb], axis=0)
        out_refs[i][...] = jnp.where(keep[None, :], leaf, 0.0)


def kernel(pred_logits, pred_boxes, target_sizes, confidence):
    lt = jnp.pad(pred_logits, ((0, 0), (0, _QP - _Q), (0, 0)))
    lt = jnp.transpose(lt, (2, 0, 1))
    sclb = _sc_softmax(lt).reshape(6 * _B, 128)
    bt = jnp.transpose(pred_boxes, (0, 2, 1))
    tsf = target_sizes.astype(jnp.float32)
    conf = jnp.asarray(confidence, jnp.float32).reshape(1, 1)
    outs = pl.pallas_call(
        _tc_body,
        out_shape=tuple(
            jax.ShapeDtypeStruct((6, _Q), jnp.float32) for _ in range(_B)
        ),
    )(bt, sclb, tsf, conf)
    return tuple(jnp.transpose(o) for o in outs)

# --- scband reference (transcript-rebuilt; emitter-appended) ---
"""Pipeline reference for scband-decode-box-28123445854614 (READ-ONLY COPY).

The authoritative reference and input builder live on the scoring server;
editing this copy changes nothing except your own understanding.
"""

import jax, jax.numpy as jnp
import numpy as np


def box_cxcywh_to_xyxy(x):
    x_c = x[..., 0]
    y_c = x[..., 1]
    w = x[..., 2]
    h = x[..., 3]
    return jnp.stack([x_c - 0.5 * w, y_c - 0.5 * h, x_c + 0.5 * w, y_c + 0.5 * h], axis=-1)


def setup_inputs(seed: int = 0) -> dict:
    key = jax.random.key(seed)
    k1, k2, k3 = jax.random.split(key, 3)
    pred_logits = jax.random.normal(k1, (16, 300, 92), dtype=jnp.float32)
    pred_boxes = jax.random.uniform(k2, (16, 300, 4), dtype=jnp.float32)
    target_sizes = jax.random.randint(k3, (16, 2), 0, 1333, dtype=jnp.int32)
    confidence = 0
    return {"pred_logits": pred_logits, "pred_boxes": pred_boxes, "target_sizes": target_sizes, "confidence": confidence}


def reference(pred_logits, pred_boxes, target_sizes, confidence):
    prob = jax.nn.softmax(pred_logits, axis=-1)
    scores = jnp.max(prob[..., :-1], axis=-1)
    labels = jnp.argmax(prob[..., :-1], axis=-1)
    boxes = box_cxcywh_to_xyxy(pred_boxes)
    img_h = target_sizes[:, 0].astype(jnp.float32)
    img_w = target_sizes[:, 1].astype(jnp.float32)
    scale_fct = jnp.stack([img_w, img_h, img_w, img_h], axis=1)
    boxes = boxes * scale_fct[:, None, :]
    outputs = jnp.concatenate([
        boxes[:, :, 1][..., None],
        boxes[:, :, 0][..., None],
        boxes[:, :, 3][..., None],
        boxes[:, :, 2][..., None],
        scores[..., None],
        labels.astype(jnp.float32)[..., None],
    ], axis=-1)
    results = []
    for b in range(outputs.shape[0]):
        out = outputs[b]
        mask = out[:, 4] > confidence
        results.append(jnp.where(mask[:, None], out, 0.0))
    return tuple(results)

if __name__ == "__main__":
    import jax
    _d = setup_inputs()
    print(jax.jit(kernel)(*tuple(_d.values())))

</pallas_src>

<mosaic_0001>
#map = affine_map<(d0, d1) -> (0, 0, 0)>
module attributes {stable_mosaic.version = 14 : i64} {
  func.func @_sc_body(%arg0: i32, %arg1: i32, %arg2: memref<92x16x384xf32, #tpu.memory_space<hbm>>, %arg3: memref<2x16x384xf32, #tpu.memory_space<hbm>>, %arg4: memref<92x160xf32, #tpu.memory_space<vmem>>, %arg5: memref<160xf32, #tpu.memory_space<vmem>>, %arg6: memref<160xf32, #tpu.memory_space<vmem>>) attributes {dimension_semantics = [#tpu.dimension_semantics<core_parallel>, #tpu.dimension_semantics<subcore_parallel>], iteration_bounds = array<i64: 2, 16>, scalar_prefetch = 0 : i64, scratch_operands = 3 : i64, tpu.core_type = #tpu.core_type<sc_vector_subcore>, window_params = [{transform_indices = #map}, {transform_indices = #map}]} {
    %mul3A = arith.constant 2 : i32
    %mul3A_0 = arith.muli %arg1, %mul3A : i32
    %add3A = arith.addi %mul3A_0, %arg0 : i32
    %jit3A = arith.constant 2 : i32
    %div3A = arith.divsi %add3A, %jit3A : i32
    %sign3A = arith.constant 0 : i32
    %sign3A_1 = arith.cmpi sgt, %add3A, %sign3A : i32
    %sign3A_2 = arith.extui %sign3A_1 : i1 to i32
    %sign3A_3 = arith.constant 0 : i32
    %sign3A_4 = arith.cmpi slt, %add3A, %sign3A_3 : i32
    %sign3A_5 = arith.extui %sign3A_4 : i1 to i32
    %sign3A_6 = arith.subi %sign3A_2, %sign3A_5 : i32
    %sign3A_7 = arith.constant 0 : i32
    %sign3A_8 = arith.cmpi sgt, %jit3A, %sign3A_7 : i32
    %sign3A_9 = arith.extui %sign3A_8 : i1 to i32
    %sign3A_10 = arith.constant 0 : i32
    %sign3A_11 = arith.cmpi slt, %jit3A, %sign3A_10 : i32
    %sign3A_12 = arith.extui %sign3A_11 : i1 to i32
    %sign3A_13 = arith.subi %sign3A_9, %sign3A_12 : i32
    %ne3A = arith.cmpi ne, %sign3A_6, %sign3A_13 : i32
    %rem3A = arith.remsi %add3A, %jit3A : i32
    %ne3A_14 = arith.constant 0 : i32
    %ne3A_15 = arith.cmpi ne, %rem3A, %ne3A_14 : i32
    %and3A = arith.andi %ne3A, %ne3A_15 : i1
    %sub3A = arith.constant 1 : i32
    %sub3A_16 = arith.subi %div3A, %sub3A : i32
    %select_n3A = arith.select %and3A, %sub3A_16, %div3A : i32
    %jit3A_17 = arith.constant 2 : i32
    %eq3A = arith.constant 0 : i32
    %eq3A_18 = arith.cmpi eq, %jit3A_17, %eq3A : i32
    %jit3A_19 = arith.constant 1 : i32
    %select_n3A_20 = arith.select %eq3A_18, %jit3A_19, %jit3A_17 : i32
    %rem3A_21 = arith.remsi %add3A, %select_n3A_20 : i32
    %ne3A_22 = arith.constant 0 : i32
    %ne3A_23 = arith.cmpi ne, %rem3A_21, %ne3A_22 : i32
    %lt3A = arith.constant 0 : i32
    %lt3A_24 = arith.cmpi slt, %rem3A_21, %lt3A : i32
    %lt3A_25 = arith.constant 0 : i32
    %lt3A_26 = arith.cmpi slt, %select_n3A_20, %lt3A_25 : i32
    %ne3A_27 = arith.xori %lt3A_24, %lt3A_26 : i1
    %and3A_28 = arith.andi %ne3A_27, %ne3A_23 : i1
    %add3A_29 = arith.addi %rem3A_21, %select_n3A_20 : i32
    %select_n3A_30 = arith.select %and3A_28, %add3A_29, %rem3A_21 : i32
    %eq3A_31 = arith.constant 0 : i32
    %eq3A_32 = arith.cmpi eq, %select_n3A_30, %eq3A_31 : i32
    %convert_element_type3A = arith.extui %eq3A_32 : i1 to i32
    %cond3A = arith.constant 0 : i32
    %cond3A_33 = arith.cmpi ne, %convert_element_type3A, %cond3A : i32
    scf.if %cond3A_33 {
      "tpu.region"() ({
        %run_scoped3A = tpu.sem_alloc : memref<!tpu.dma_semaphore, #tpu.memory_space<semaphore_mem>>
        %dma_start3A = arith.constant 0 : i32
        %dma_start3A_57 = arith.constant 0 : i32
        %dma_start3A_58 = tpu.memref_slice %arg2[%dma_start3A, %select_n3A, %dma_start3A_57] : memref<92x16x384xf32, #tpu.memory_space<hbm>> -> memref<92x1x160xf32, #tpu.memory_space<hbm>>
        %dma_start3A_59 = tpu.memref_squeeze %dma_start3A_58 : memref<92x1x160xf32, #tpu.memory_space<hbm>> -> memref<92x160xf32, #tpu.memory_space<hbm>>
        %dma_start3A_60 = arith.constant 0 : i32
        %dma_start3A_61 = arith.constant 0 : i32
        %dma_start3A_62 = tpu.memref_slice %arg2[%dma_start3A_60, %select_n3A, %dma_start3A_61] : memref<92x16x384xf32, #tpu.memory_space<hbm>> -> memref<92x1x160xf32, #tpu.memory_space<hbm>>
        %dma_start3A_63 = tpu.memref_squeeze %dma_start3A_62 : memref<92x1x160xf32, #tpu.memory_space<hbm>> -> memref<92x160xf32, #tpu.memory_space<hbm>>
        tpu.enqueue_dma source(%dma_start3A_63 : memref<92x160xf32, #tpu.memory_space<hbm>>) target(%arg4 : memref<92x160xf32, #tpu.memory_space<vmem>>) target_semaphore(%run_scoped3A : memref<!tpu.dma_semaphore, #tpu.memory_space<semaphore_mem>>)
        %dma_wait3A = arith.constant 0 : i32
        %dma_wait3A_64 = arith.constant 0 : i32
        %dma_wait3A_65 = tpu.memref_slice %arg2[%dma_wait3A, %select_n3A, %dma_wait3A_64] : memref<92x16x384xf32, #tpu.memory_space<hbm>> -> memref<92x1x160xf32, #tpu.memory_space<hbm>>
        %dma_wait3A_66 = tpu.memref_squeeze %dma_wait3A_65 : memref<92x1x160xf32, #tpu.memory_space<hbm>> -> memref<92x160xf32, #tpu.memory_space<hbm>>
        %dma_wait3A_67 = arith.constant 0 : i32
        %dma_wait3A_68 = arith.constant 0 : i32
        %dma_wait3A_69 = tpu.memref_slice %arg2[%dma_wait3A_67, %select_n3A, %dma_wait3A_68] : memref<92x16x384xf32, #tpu.memory_space<hbm>> -> memref<92x1x160xf32, #tpu.memory_space<hbm>>
        %dma_wait3A_70 = tpu.memref_squeeze %dma_wait3A_69 : memref<92x1x160xf32, #tpu.memory_space<hbm>> -> memref<92x160xf32, #tpu.memory_space<hbm>>
        tpu.wait_dma2 semaphore(%run_scoped3A : memref<!tpu.dma_semaphore, #tpu.memory_space<semaphore_mem>>) src(%dma_wait3A_70 : memref<92x160xf32, #tpu.memory_space<hbm>>) dst(%arg4 : memref<92x160xf32, #tpu.memory_space<vmem>>)
        tpu.yield
      }) : () -> ()
    } else {
    }
    %eq3A_34 = arith.constant 1 : i32
    %eq3A_35 = arith.cmpi eq, %select_n3A_30, %eq3A_34 : i32
    %convert_element_type3A_36 = arith.extui %eq3A_35 : i1 to i32
    %cond3A_37 = arith.constant 0 : i32
    %cond3A_38 = arith.cmpi ne, %convert_element_type3A_36, %cond3A_37 : i32
    scf.if %cond3A_38 {
      "tpu.region"() ({
        %run_scoped3A = tpu.sem_alloc : memref<!tpu.dma_semaphore, #tpu.memory_space<semaphore_mem>>
        %dma_start3A = arith.constant 0 : i32
        %dma_start3A_57 = arith.constant 144 : i32
        %dma_start3A_58 = tpu.memref_slice %arg2[%dma_start3A, %select_n3A, %dma_start3A_57] : memref<92x16x384xf32, #tpu.memory_space<hbm>> -> memref<92x1x160xf32, #tpu.memory_space<hbm>>
        %dma_start3A_59 = tpu.memref_squeeze %dma_start3A_58 : memref<92x1x160xf32, #tpu.memory_space<hbm>> -> memref<92x160xf32, #tpu.memory_space<hbm>>
        %dma_start3A_60 = arith.constant 0 : i32
        %dma_start3A_61 = arith.constant 144 : i32
        %dma_start3A_62 = tpu.memref_slice %arg2[%dma_start3A_60, %select_n3A, %dma_start3A_61] : memref<92x16x384xf32, #tpu.memory_space<hbm>> -> memref<92x1x160xf32, #tpu.memory_space<hbm>>
        %dma_start3A_63 = tpu.memref_squeeze %dma_start3A_62 : memref<92x1x160xf32, #tpu.memory_space<hbm>> -> memref<92x160xf32, #tpu.memory_space<hbm>>
        tpu.enqueue_dma source(%dma_start3A_63 : memref<92x160xf32, #tpu.memory_space<hbm>>) target(%arg4 : memref<92x160xf32, #tpu.memory_space<vmem>>) target_semaphore(%run_scoped3A : memref<!tpu.dma_semaphore, #tpu.memory_space<semaphore_mem>>)
        %dma_wait3A = arith.constant 0 : i32
        %dma_wait3A_64 = arith.constant 144 : i32
        %dma_wait3A_65 = tpu.memref_slice %arg2[%dma_wait3A, %select_n3A, %dma_wait3A_64] : memref<92x16x384xf32, #tpu.memory_space<hbm>> -> memref<92x1x160xf32, #tpu.memory_space<hbm>>
        %dma_wait3A_66 = tpu.memref_squeeze %dma_wait3A_65 : memref<92x1x160xf32, #tpu.memory_space<hbm>> -> memref<92x160xf32, #tpu.memory_space<hbm>>
        %dma_wait3A_67 = arith.constant 0 : i32
        %dma_wait3A_68 = arith.constant 144 : i32
        %dma_wait3A_69 = tpu.memref_slice %arg2[%dma_wait3A_67, %select_n3A, %dma_wait3A_68] : memref<92x16x384xf32, #tpu.memory_space<hbm>> -> memref<92x1x160xf32, #tpu.memory_space<hbm>>
        %dma_wait3A_70 = tpu.memref_squeeze %dma_wait3A_69 : memref<92x1x160xf32, #tpu.memory_space<hbm>> -> memref<92x160xf32, #tpu.memory_space<hbm>>
        tpu.wait_dma2 semaphore(%run_scoped3A : memref<!tpu.dma_semaphore, #tpu.memory_space<semaphore_mem>>) src(%dma_wait3A_70 : memref<92x160xf32, #tpu.memory_space<hbm>>) dst(%arg4 : memref<92x160xf32, #tpu.memory_space<vmem>>)
        tpu.yield
      }) : () -> ()
    } else {
    }
    %broadcast_in_dim3A = arith.constant 0.000000e+00 : f32
    %broadcast_in_dim3A_39 = vector.broadcast %broadcast_in_dim3A : f32 to vector<16xf32>
    %broadcast_in_dim3A_40 = arith.constant 0xFF800000 : f32
    %broadcast_in_dim3A_41 = vector.broadcast %broadcast_in_dim3A_40 : f32 to vector<16xf32>
    %scan3A = arith.constant 0 : i32
    %scan3A_42 = arith.constant 0 : i32
    %scan3A_43 = arith.constant 10 : i32
    %scan3A_44 = arith.addi %scan3A_42, %scan3A_43 : i32
    %scan3A_45 = arith.constant 1 : i32
    scf.for %scan3A_57 = %scan3A_42 to %scan3A_44 step %scan3A_45  : i32 {
      %mul3A_58 = arith.constant 16 : i32
      %mul3A_59 = arith.muli %scan3A_57, %mul3A_58 : i32
      %multiple_of3A = tpu.assume_multiple %mul3A_59, 16 : i32
      %scan3A_60 = arith.constant 0 : i32
      %scan3A_61 = arith.constant 22 : i32
      %scan3A_62 = arith.addi %scan3A_60, %scan3A_61 : i32
      %scan3A_63 = arith.constant 1 : i32
      %scan3A_64:9 = scf.for %scan3A_126 = %scan3A_60 to %scan3A_62 step %scan3A_63 iter_args(%scan3A_127 = %broadcast_in_dim3A_41, %scan3A_128 = %broadcast_in_dim3A_41, %scan3A_129 = %broadcast_in_dim3A_41, %scan3A_130 = %broadcast_in_dim3A_41, %scan3A_131 = %broadcast_in_dim3A_39, %scan3A_132 = %broadcast_in_dim3A_39, %scan3A_133 = %broadcast_in_dim3A_39, %scan3A_134 = %broadcast_in_dim3A_39, %scan3A_135 = %broadcast_in_dim3A_39) -> (vector<16xf32>, vector<16xf32>, vector<16xf32>, vector<16xf32>, vector<16xf32>, vector<16xf32>, vector<16xf32>, vector<16xf32>, vector<16xf32>)  : i32 {
        %mul3A_136 = arith.constant 4 : i32
        %mul3A_137 = arith.muli %scan3A_126, %mul3A_136 : i32
        %get3A_138 = arith.index_cast %mul3A_137 : i32 to index
        %get3A_139 = arith.index_cast %multiple_of3A : i32 to index
        %get3A_140 = tpu.vector_load %arg4[%get3A_138, %get3A_139] {strides = array<i32>} : memref<92x160xf32, #tpu.memory_space<vmem>>, vector<16xf32>,
        %add3A_141 = arith.constant 1 : i32
        %add3A_142 = arith.addi %mul3A_137, %add3A_141 : i32
        %get3A_143 = arith.index_cast %add3A_142 : i32 to index
        %get3A_144 = arith.index_cast %multiple_of3A : i32 to index
        %get3A_145 = tpu.vector_load %arg4[%get3A_143, %get3A_144] {strides = array<i32>} : memref<92x160xf32, #tpu.memory_space<vmem>>, vector<16xf32>,
        %add3A_146 = arith.constant 2 : i32
        %add3A_147 = arith.addi %mul3A_137, %add3A_146 : i32
        %get3A_148 = arith.index_cast %add3A_147 : i32 to index
        %get3A_149 = arith.index_cast %multiple_of3A : i32 to index
        %get3A_150 = tpu.vector_load %arg4[%get3A_148, %get3A_149] {strides = array<i32>} : memref<92x160xf32, #tpu.memory_space<vmem>>, vector<16xf32>,
        %add3A_151 = arith.constant 3 : i32
        %add3A_152 = arith.addi %mul3A_137, %add3A_151 : i32
        %get3A_153 = arith.index_cast %add3A_152 : i32 to index
        %get3A_154 = arith.index_cast %multiple_of3A : i32 to index
        %get3A_155 = tpu.vector_load %arg4[%get3A_153, %get3A_154] {strides = array<i32>} : memref<92x160xf32, #tpu.memory_space<vmem>>, vector<16xf32>,
        %gt3A_156 = arith.cmpf ogt, %get3A_140, %scan3A_127 : vector<16xf32>
        %select_n3A_157 = arith.select %gt3A_156, %scan3A_135, %scan3A_131 : vector<16xi1>, vector<16xf32>
        %gt3A_158 = arith.cmpf ogt, %get3A_145, %scan3A_128 : vector<16xf32>
        %add3A_159 = arith.constant 1.000000e+00 : f32
        %add3A_160 = vector.broadcast %add3A_159 : f32 to vector<16xf32>
        %add3A_161 = arith.addf %scan3A_135, %add3A_160 : vector<16xf32>
        %select_n3A_162 = arith.select %gt3A_158, %add3A_161, %scan3A_132 : vector<16xi1>, vector<16xf32>
        %gt3A_163 = arith.cmpf ogt, %get3A_150, %scan3A_129 : vector<16xf32>
        %add3A_164 = arith.constant 2.000000e+00 : f32
        %add3A_165 = vector.broadcast %add3A_164 : f32 to vector<16xf32>
        %add3A_166 = arith.addf %scan3A_135, %add3A_165 : vector<16xf32>
        %select_n3A_167 = arith.select %gt3A_163, %add3A_166, %scan3A_133 : vector<16xi1>, vector<16xf32>
        %gt3A_168 = arith.cmpf ogt, %get3A_155, %scan3A_130 : vector<16xf32>
        %add3A_169 = arith.constant 3.000000e+00 : f32
        %add3A_170 = vector.broadcast %add3A_169 : f32 to vector<16xf32>
        %add3A_171 = arith.addf %scan3A_135, %add3A_170 : vector<16xf32>
        %select_n3A_172 = arith.select %gt3A_168, %add3A_171, %scan3A_134 : vector<16xi1>, vector<16xf32>
        %max3A_173 = arith.maximumf %scan3A_127, %get3A_140 : vector<16xf32>
        %max3A_174 = arith.maximumf %scan3A_128, %get3A_145 : vector<16xf32>
        %max3A_175 = arith.maximumf %scan3A_129, %get3A_150 : vector<16xf32>
        %max3A_176 = arith.maximumf %scan3A_130, %get3A_155 : vector<16xf32>
        %add3A_177 = arith.constant 4.000000e+00 : f32
        %add3A_178 = vector.broadcast %add3A_177 : f32 to vector<16xf32>
        %add3A_179 = arith.addf %scan3A_135, %add3A_178 : vector<16xf32>
        scf.yield %max3A_173, %max3A_174, %max3A_175, %max3A_176, %select_n3A_157, %select_n3A_162, %select_n3A_167, %select_n3A_172, %add3A_179 : vector<16xf32>, vector<16xf32>, vector<16xf32>, vector<16xf32>, vector<16xf32>, vector<16xf32>, vector<16xf32>, vector<16xf32>, vector<16xf32>
      }
      %scan3A_65 = arith.constant 22 : i32
      %get3A = arith.constant 88 : i32
      %get3A_66 = arith.index_cast %get3A : i32 to index
      %get3A_67 = arith.index_cast %multiple_of3A : i32 to index
      %get3A_68 = tpu.vector_load %arg4[%get3A_66, %get3A_67] {strides = array<i32>} : memref<92x160xf32, #tpu.memory_space<vmem>>, vector<16xf32>,
      %get3A_69 = arith.constant 89 : i32
      %get3A_70 = arith.index_cast %get3A_69 : i32 to index
      %get3A_71 = arith.index_cast %multiple_of3A : i32 to index
      %get3A_72 = tpu.vector_load %arg4[%get3A_70, %get3A_71] {strides = array<i32>} : memref<92x160xf32, #tpu.memory_space<vmem>>, vector<16xf32>,
      %get3A_73 = arith.constant 90 : i32
      %get3A_74 = arith.index_cast %get3A_73 : i32 to index
      %get3A_75 = arith.index_cast %multiple_of3A : i32 to index
      %get3A_76 = tpu.vector_load %arg4[%get3A_74, %get3A_75] {strides = array<i32>} : memref<92x160xf32, #tpu.memory_space<vmem>>, vector<16xf32>,
      %gt3A = arith.cmpf ogt, %get3A_68, %scan3A_64#0 : vector<16xf32>
      %select_n3A_77 = arith.select %gt3A, %scan3A_64#8, %scan3A_64#4 : vector<16xi1>, vector<16xf32>
      %gt3A_78 = arith.cmpf ogt, %get3A_72, %scan3A_64#1 : vector<16xf32>
      %add3A_79 = arith.constant 1.000000e+00 : f32
      %add3A_80 = vector.broadcast %add3A_79 : f32 to vector<16xf32>
      %add3A_81 = arith.addf %scan3A_64#8, %add3A_80 : vector<16xf32>
      %select_n3A_82 = arith.select %gt3A_78, %add3A_81, %scan3A_64#5 : vector<16xi1>, vector<16xf32>
      %gt3A_83 = arith.cmpf ogt, %get3A_76, %scan3A_64#2 : vector<16xf32>
      %add3A_84 = arith.constant 2.000000e+00 : f32
      %add3A_85 = vector.broadcast %add3A_84 : f32 to vector<16xf32>
      %add3A_86 = arith.addf %scan3A_64#8, %add3A_85 : vector<16xf32>
      %select_n3A_87 = arith.select %gt3A_83, %add3A_86, %scan3A_64#6 : vector<16xi1>, vector<16xf32>
      %max3A = arith.maximumf %scan3A_64#0, %get3A_68 : vector<16xf32>
      %max3A_88 = arith.maximumf %scan3A_64#1, %get3A_72 : vector<16xf32>
      %max3A_89 = arith.maximumf %scan3A_64#2, %get3A_76 : vector<16xf32>
      %max3A_90 = arith.maximumf %max3A, %max3A_88 : vector<16xf32>
      %gt3A_91 = arith.cmpf ogt, %max3A_88, %max3A : vector<16xf32>
      %select_n3A_92 = arith.select %gt3A_91, %select_n3A_82, %select_n3A_77 : vector<16xi1>, vector<16xf32>
      %eq3A_93 = arith.cmpf oeq, %max3A_88, %max3A : vector<16xf32>
      %min3A = arith.minimumf %select_n3A_77, %select_n3A_82 : vector<16xf32>
      %select_n3A_94 = arith.select %eq3A_93, %min3A, %select_n3A_92 : vector<16xi1>, vector<16xf32>
      %max3A_95 = arith.maximumf %max3A_89, %scan3A_64#3 : vector<16xf32>
      %gt3A_96 = arith.cmpf ogt, %scan3A_64#3, %max3A_89 : vector<16xf32>
      %select_n3A_97 = arith.select %gt3A_96, %scan3A_64#7, %select_n3A_87 : vector<16xi1>, vector<16xf32>
      %eq3A_98 = arith.cmpf oeq, %scan3A_64#3, %max3A_89 : vector<16xf32>
      %min3A_99 = arith.minimumf %select_n3A_87, %scan3A_64#7 : vector<16xf32>
      %select_n3A_100 = arith.select %eq3A_98, %min3A_99, %select_n3A_97 : vector<16xi1>, vector<16xf32>
      %max3A_101 = arith.maximumf %max3A_90, %max3A_95 : vector<16xf32>
      %gt3A_102 = arith.cmpf ogt, %max3A_95, %max3A_90 : vector<16xf32>
      %select_n3A_103 = arith.select %gt3A_102, %select_n3A_100, %select_n3A_94 : vector<16xi1>, vector<16xf32>
      %eq3A_104 = arith.cmpf oeq, %max3A_95, %max3A_90 : vector<16xf32>
      %min3A_105 = arith.minimumf %select_n3A_94, %select_n3A_100 : vector<16xf32>
      %select_n3A_106 = arith.select %eq3A_104, %min3A_105, %select_n3A_103 : vector<16xi1>, vector<16xf32>
      %get3A_107 = arith.constant 91 : i32
      %get3A_108 = arith.index_cast %get3A_107 : i32 to index
      %get3A_109 = arith.index_cast %multiple_of3A : i32 to index
      %get3A_110 = tpu.vector_load %arg4[%get3A_108, %get3A_109] {strides = array<i32>} : memref<92x160xf32, #tpu.memory_space<vmem>>, vector<16xf32>,
      %max3A_111 = arith.maximumf %max3A_101, %get3A_110 : vector<16xf32>
      %scan3A_112 = arith.constant 0 : i32
      %scan3A_113 = arith.constant 23 : i32
      %scan3A_114 = arith.addi %scan3A_112, %scan3A_113 : i32
      %scan3A_115 = arith.constant 1 : i32
      %scan3A_116:4 = scf.for %scan3A_126 = %scan3A_112 to %scan3A_114 step %scan3A_115 iter_args(%scan3A_127 = %broadcast_in_dim3A_39, %scan3A_128 = %broadcast_in_dim3A_39, %scan3A_129 = %broadcast_in_dim3A_39, %scan3A_130 = %broadcast_in_dim3A_39) -> (vector<16xf32>, vector<16xf32>, vector<16xf32>, vector<16xf32>)  : i32 {
        %mul3A_131 = arith.constant 4 : i32
        %mul3A_132 = arith.muli %scan3A_126, %mul3A_131 : i32
        %get3A_133 = arith.index_cast %mul3A_132 : i32 to index
        %get3A_134 = arith.index_cast %multiple_of3A : i32 to index
        %get3A_135 = tpu.vector_load %arg4[%get3A_133, %get3A_134] {strides = array<i32>} : memref<92x160xf32, #tpu.memory_space<vmem>>, vector<16xf32>,
        %sub3A_136 = arith.subf %get3A_135, %max3A_111 : vector<16xf32>
        %exp3A_137 = math.exp %sub3A_136 : vector<16xf32>
        %add3A_138 = arith.addf %scan3A_127, %exp3A_137 : vector<16xf32>
        %add3A_139 = arith.constant 1 : i32
        %add3A_140 = arith.addi %mul3A_132, %add3A_139 : i32
        %get3A_141 = arith.index_cast %add3A_140 : i32 to index
        %get3A_142 = arith.index_cast %multiple_of3A : i32 to index
        %get3A_143 = tpu.vector_load %arg4[%get3A_141, %get3A_142] {strides = array<i32>} : memref<92x160xf32, #tpu.memory_space<vmem>>, vector<16xf32>,
        %sub3A_144 = arith.subf %get3A_143, %max3A_111 : vector<16xf32>
        %exp3A_145 = math.exp %sub3A_144 : vector<16xf32>
        %add3A_146 = arith.addf %scan3A_128, %exp3A_145 : vector<16xf32>
        %add3A_147 = arith.constant 2 : i32
        %add3A_148 = arith.addi %mul3A_132, %add3A_147 : i32
        %get3A_149 = arith.index_cast %add3A_148 : i32 to index
        %get3A_150 = arith.index_cast %multiple_of3A : i32 to index
        %get3A_151 = tpu.vector_load %arg4[%get3A_149, %get3A_150] {strides = array<i32>} : memref<92x160xf32, #tpu.memory_space<vmem>>, vector<16xf32>,
        %sub3A_152 = arith.subf %get3A_151, %max3A_111 : vector<16xf32>
        %exp3A_153 = math.exp %sub3A_152 : vector<16xf32>
        %add3A_154 = arith.addf %scan3A_129, %exp3A_153 : vector<16xf32>
        %add3A_155 = arith.constant 3 : i32
        %add3A_156 = arith.addi %mul3A_132, %add3A_155 : i32
        %get3A_157 = arith.index_cast %add3A_156 : i32 to index
        %get3A_158 = arith.index_cast %multiple_of3A : i32 to index
        %get3A_159 = tpu.vector_load %arg4[%get3A_157, %get3A_158] {strides = array<i32>} : memref<92x160xf32, #tpu.memory_space<vmem>>, vector<16xf32>,
        %sub3A_160 = arith.subf %get3A_159, %max3A_111 : vector<16xf32>
        %exp3A_161 = math.exp %sub3A_160 : vector<16xf32>
        %add3A_162 = arith.addf %scan3A_130, %exp3A_161 : vector<16xf32>
        scf.yield %add3A_138, %add3A_146, %add3A_154, %add3A_162 : vector<16xf32>, vector<16xf32>, vector<16xf32>, vector<16xf32>
      }
      %scan3A_117 = arith.constant 23 : i32
      %add3A_118 = arith.addf %scan3A_116#0, %scan3A_116#1 : vector<16xf32>
      %add3A_119 = arith.addf %scan3A_116#2, %scan3A_116#3 : vector<16xf32>
      %add3A_120 = arith.addf %add3A_118, %add3A_119 : vector<16xf32>
      %sub3A_121 = arith.subf %max3A_101, %max3A_111 : vector<16xf32>
      %exp3A = math.exp %sub3A_121 : vector<16xf32>
      %div3A_122 = arith.divf %exp3A, %add3A_120 : vector<16xf32>
      %swap3A = arith.index_cast %multiple_of3A : i32 to index
      %swap3A_123 = tpu.vector_load %arg5[%swap3A] {strides = array<i32>} : memref<160xf32, #tpu.memory_space<vmem>>, vector<16xf32>,
      tpu.vector_store %arg5[%swap3A], %div3A_122 {strides = array<i32>} : memref<160xf32, #tpu.memory_space<vmem>>, vector<16xf32>,
      %swap3A_124 = arith.index_cast %multiple_of3A : i32 to index
      %swap3A_125 = tpu.vector_load %arg6[%swap3A_124] {strides = array<i32>} : memref<160xf32, #tpu.memory_space<vmem>>, vector<16xf32>,
      tpu.vector_store %arg6[%swap3A_124], %select_n3A_106 {strides = array<i32>} : memref<160xf32, #tpu.memory_space<vmem>>, vector<16xf32>,
    }
    %scan3A_46 = arith.constant 10 : i32
    %eq3A_47 = arith.constant 0 : i32
    %eq3A_48 = arith.cmpi eq, %select_n3A_30, %eq3A_47 : i32
    %convert_element_type3A_49 = arith.extui %eq3A_48 : i1 to i32
    %cond3A_50 = arith.constant 0 : i32
    %cond3A_51 = arith.cmpi ne, %convert_element_type3A_49, %cond3A_50 : i32
    scf.if %cond3A_51 {
      %run_scoped3A = arith.constant 0 : i32
      "tpu.region"() ({
        %run_scoped3A_58 = tpu.sem_alloc : memref<!tpu.dma_semaphore, #tpu.memory_space<semaphore_mem>>
        %dma_start3A = arith.constant 0 : i32
        %dma_start3A_59 = tpu.memref_slice %arg3[%run_scoped3A, %select_n3A, %dma_start3A] : memref<2x16x384xf32, #tpu.memory_space<hbm>> -> memref<1x1x160xf32, #tpu.memory_space<hbm>>
        %dma_start3A_60 = tpu.memref_squeeze %dma_start3A_59 : memref<1x1x160xf32, #tpu.memory_space<hbm>> -> memref<160xf32, #tpu.memory_space<hbm>>
        %dma_start3A_61 = arith.constant 0 : i32
        %dma_start3A_62 = tpu.memref_slice %arg3[%run_scoped3A, %select_n3A, %dma_start3A_61] : memref<2x16x384xf32, #tpu.memory_space<hbm>> -> memref<1x1x160xf32, #tpu.memory_space<hbm>>
        %dma_start3A_63 = tpu.memref_squeeze %dma_start3A_62 : memref<1x1x160xf32, #tpu.memory_space<hbm>> -> memref<160xf32, #tpu.memory_space<hbm>>
        tpu.enqueue_dma source(%arg5 : memref<160xf32, #tpu.memory_space<vmem>>) target(%dma_start3A_63 : memref<160xf32, #tpu.memory_space<hbm>>) target_semaphore(%run_scoped3A_58 : memref<!tpu.dma_semaphore, #tpu.memory_space<semaphore_mem>>)
        %dma_wait3A = arith.constant 0 : i32
        %dma_wait3A_64 = tpu.memref_slice %arg3[%run_scoped3A, %select_n3A, %dma_wait3A] : memref<2x16x384xf32, #tpu.memory_space<hbm>> -> memref<1x1x160xf32, #tpu.memory_space<hbm>>
        %dma_wait3A_65 = tpu.memref_squeeze %dma_wait3A_64 : memref<1x1x160xf32, #tpu.memory_space<hbm>> -> memref<160xf32, #tpu.memory_space<hbm>>
        %dma_wait3A_66 = arith.constant 0 : i32
        %dma_wait3A_67 = tpu.memref_slice %arg3[%run_scoped3A, %select_n3A, %dma_wait3A_66] : memref<2x16x384xf32, #tpu.memory_space<hbm>> -> memref<1x1x160xf32, #tpu.memory_space<hbm>>
        %dma_wait3A_68 = tpu.memref_squeeze %dma_wait3A_67 : memref<1x1x160xf32, #tpu.memory_space<hbm>> -> memref<160xf32, #tpu.memory_space<hbm>>
        tpu.wait_dma2 semaphore(%run_scoped3A_58 : memref<!tpu.dma_semaphore, #tpu.memory_space<semaphore_mem>>) src(%arg5 : memref<160xf32, #tpu.memory_space<vmem>>) dst(%dma_wait3A_68 : memref<160xf32, #tpu.memory_space<hbm>>)
        tpu.yield
      }) : () -> ()
      %run_scoped3A_57 = arith.constant 1 : i32
      "tpu.region"() ({
        %run_scoped3A_58 = tpu.sem_alloc : memref<!tpu.dma_semaphore, #tpu.memory_space<semaphore_mem>>
        %dma_start3A = arith.constant 0 : i32
        %dma_start3A_59 = tpu.memref_slice %arg3[%run_scoped3A_57, %select_n3A, %dma_start3A] : memref<2x16x384xf32, #tpu.memory_space<hbm>> -> memref<1x1x160xf32, #tpu.memory_space<hbm>>
        %dma_start3A_60 = tpu.memref_squeeze %dma_start3A_59 : memref<1x1x160xf32, #tpu.memory_space<hbm>> -> memref<160xf32, #tpu.memory_space<hbm>>
        %dma_start3A_61 = arith.constant 0 : i32
        %dma_start3A_62 = tpu.memref_slice %arg3[%run_scoped3A_57, %select_n3A, %dma_start3A_61] : memref<2x16x384xf32, #tpu.memory_space<hbm>> -> memref<1x1x160xf32, #tpu.memory_space<hbm>>
        %dma_start3A_63 = tpu.memref_squeeze %dma_start3A_62 : memref<1x1x160xf32, #tpu.memory_space<hbm>> -> memref<160xf32, #tpu.memory_space<hbm>>
        tpu.enqueue_dma source(%arg6 : memref<160xf32, #tpu.memory_space<vmem>>) target(%dma_start3A_63 : memref<160xf32, #tpu.memory_space<hbm>>) target_semaphore(%run_scoped3A_58 : memref<!tpu.dma_semaphore, #tpu.memory_space<semaphore_mem>>)
        %dma_wait3A = arith.constant 0 : i32
        %dma_wait3A_64 = tpu.memref_slice %arg3[%run_scoped3A_57, %select_n3A, %dma_wait3A] : memref<2x16x384xf32, #tpu.memory_space<hbm>> -> memref<1x1x160xf32, #tpu.memory_space<hbm>>
        %dma_wait3A_65 = tpu.memref_squeeze %dma_wait3A_64 : memref<1x1x160xf32, #tpu.memory_space<hbm>> -> memref<160xf32, #tpu.memory_space<hbm>>
        %dma_wait3A_66 = arith.constant 0 : i32
        %dma_wait3A_67 = tpu.memref_slice %arg3[%run_scoped3A_57, %select_n3A, %dma_wait3A_66] : memref<2x16x384xf32, #tpu.memory_space<hbm>> -> memref<1x1x160xf32, #tpu.memory_space<hbm>>
        %dma_wait3A_68 = tpu.memref_squeeze %dma_wait3A_67 : memref<1x1x160xf32, #tpu.memory_space<hbm>> -> memref<160xf32, #tpu.memory_space<hbm>>
        tpu.wait_dma2 semaphore(%run_scoped3A_58 : memref<!tpu.dma_semaphore, #tpu.memory_space<semaphore_mem>>) src(%arg6 : memref<160xf32, #tpu.memory_space<vmem>>) dst(%dma_wait3A_68 : memref<160xf32, #tpu.memory_space<hbm>>)
        tpu.yield
      }) : () -> ()
    } else {
    }
    %eq3A_52 = arith.constant 1 : i32
    %eq3A_53 = arith.cmpi eq, %select_n3A_30, %eq3A_52 : i32
    %convert_element_type3A_54 = arith.extui %eq3A_53 : i1 to i32
    %cond3A_55 = arith.constant 0 : i32
    %cond3A_56 = arith.cmpi ne, %convert_element_type3A_54, %cond3A_55 : i32
    scf.if %cond3A_56 {
      %run_scoped3A = arith.constant 0 : i32
      "tpu.region"() ({
        %run_scoped3A_58 = tpu.sem_alloc : memref<!tpu.dma_semaphore, #tpu.memory_space<semaphore_mem>>
        %dma_start3A = arith.constant 144 : i32
        %dma_start3A_59 = tpu.memref_slice %arg3[%run_scoped3A, %select_n3A, %dma_start3A] : memref<2x16x384xf32, #tpu.memory_space<hbm>> -> memref<1x1x160xf32, #tpu.memory_space<hbm>>
        %dma_start3A_60 = tpu.memref_squeeze %dma_start3A_59 : memref<1x1x160xf32, #tpu.memory_space<hbm>> -> memref<160xf32, #tpu.memory_space<hbm>>
        %dma_start3A_61 = arith.constant 144 : i32
        %dma_start3A_62 = tpu.memref_slice %arg3[%run_scoped3A, %select_n3A, %dma_start3A_61] : memref<2x16x384xf32, #tpu.memory_space<hbm>> -> memref<1x1x160xf32, #tpu.memory_space<hbm>>
        %dma_start3A_63 = tpu.memref_squeeze %dma_start3A_62 : memref<1x1x160xf32, #tpu.memory_space<hbm>> -> memref<160xf32, #tpu.memory_space<hbm>>
        tpu.enqueue_dma source(%arg5 : memref<160xf32, #tpu.memory_space<vmem>>) target(%dma_start3A_63 : memref<160xf32, #tpu.memory_space<hbm>>) target_semaphore(%run_scoped3A_58 : memref<!tpu.dma_semaphore, #tpu.memory_space<semaphore_mem>>)
        %dma_wait3A = arith.constant 144 : i32
        %dma_wait3A_64 = tpu.memref_slice %arg3[%run_scoped3A, %select_n3A, %dma_wait3A] : memref<2x16x384xf32, #tpu.memory_space<hbm>> -> memref<1x1x160xf32, #tpu.memory_space<hbm>>
        %dma_wait3A_65 = tpu.memref_squeeze %dma_wait3A_64 : memref<1x1x160xf32, #tpu.memory_space<hbm>> -> memref<160xf32, #tpu.memory_space<hbm>>
        %dma_wait3A_66 = arith.constant 144 : i32
        %dma_wait3A_67 = tpu.memref_slice %arg3[%run_scoped3A, %select_n3A, %dma_wait3A_66] : memref<2x16x384xf32, #tpu.memory_space<hbm>> -> memref<1x1x160xf32, #tpu.memory_space<hbm>>
        %dma_wait3A_68 = tpu.memref_squeeze %dma_wait3A_67 : memref<1x1x160xf32, #tpu.memory_space<hbm>> -> memref<160xf32, #tpu.memory_space<hbm>>
        tpu.wait_dma2 semaphore(%run_scoped3A_58 : memref<!tpu.dma_semaphore, #tpu.memory_space<semaphore_mem>>) src(%arg5 : memref<160xf32, #tpu.memory_space<vmem>>) dst(%dma_wait3A_68 : memref<160xf32, #tpu.memory_space<hbm>>)
        tpu.yield
      }) : () -> ()
      %run_scoped3A_57 = arith.constant 1 : i32
      "tpu.region"() ({
        %run_scoped3A_58 = tpu.sem_alloc : memref<!tpu.dma_semaphore, #tpu.memory_space<semaphore_mem>>
        %dma_start3A = arith.constant 144 : i32
        %dma_start3A_59 = tpu.memref_slice %arg3[%run_scoped3A_57, %select_n3A, %dma_start3A] : memref<2x16x384xf32, #tpu.memory_space<hbm>> -> memref<1x1x160xf32, #tpu.memory_space<hbm>>
        %dma_start3A_60 = tpu.memref_squeeze %dma_start3A_59 : memref<1x1x160xf32, #tpu.memory_space<hbm>> -> memref<160xf32, #tpu.memory_space<hbm>>
        %dma_start3A_61 = arith.constant 144 : i32
        %dma_start3A_62 = tpu.memref_slice %arg3[%run_scoped3A_57, %select_n3A, %dma_start3A_61] : memref<2x16x384xf32, #tpu.memory_space<hbm>> -> memref<1x1x160xf32, #tpu.memory_space<hbm>>
        %dma_start3A_63 = tpu.memref_squeeze %dma_start3A_62 : memref<1x1x160xf32, #tpu.memory_space<hbm>> -> memref<160xf32, #tpu.memory_space<hbm>>
        tpu.enqueue_dma source(%arg6 : memref<160xf32, #tpu.memory_space<vmem>>) target(%dma_start3A_63 : memref<160xf32, #tpu.memory_space<hbm>>) target_semaphore(%run_scoped3A_58 : memref<!tpu.dma_semaphore, #tpu.memory_space<semaphore_mem>>)
        %dma_wait3A = arith.constant 144 : i32
        %dma_wait3A_64 = tpu.memref_slice %arg3[%run_scoped3A_57, %select_n3A, %dma_wait3A] : memref<2x16x384xf32, #tpu.memory_space<hbm>> -> memref<1x1x160xf32, #tpu.memory_space<hbm>>
        %dma_wait3A_65 = tpu.memref_squeeze %dma_wait3A_64 : memref<1x1x160xf32, #tpu.memory_space<hbm>> -> memref<160xf32, #tpu.memory_space<hbm>>
        %dma_wait3A_66 = arith.constant 144 : i32
        %dma_wait3A_67 = tpu.memref_slice %arg3[%run_scoped3A_57, %select_n3A, %dma_wait3A_66] : memref<2x16x384xf32, #tpu.memory_space<hbm>> -> memref<1x1x160xf32, #tpu.memory_space<hbm>>
        %dma_wait3A_68 = tpu.memref_squeeze %dma_wait3A_67 : memref<1x1x160xf32, #tpu.memory_space<hbm>> -> memref<160xf32, #tpu.memory_space<hbm>>
        tpu.wait_dma2 semaphore(%run_scoped3A_58 : memref<!tpu.dma_semaphore, #tpu.memory_space<semaphore_mem>>) src(%arg6 : memref<160xf32, #tpu.memory_space<vmem>>) dst(%dma_wait3A_68 : memref<160xf32, #tpu.memory_space<hbm>>)
        tpu.yield
      }) : () -> ()
    } else {
    }
    return
  }
}

module attributes {stable_mosaic.version = 14 : i64} {
  func.func @_tc_body(%arg0: memref<16x4x300xf32, #tpu.memory_space<vmem>>, %arg1: memref<96x128xf32, #tpu.memory_space<vmem>>, %arg2: memref<16x2xf32, #tpu.memory_space<vmem>>, %arg3: memref<1x1xf32, #tpu.memory_space<vmem>>, %arg4: memref<6x300xf32, #tpu.memory_space<vmem>>, %arg5: memref<6x300xf32, #tpu.memory_space<vmem>>, %arg6: memref<6x300xf32, #tpu.memory_space<vmem>>, %arg7: memref<6x300xf32, #tpu.memory_space<vmem>>, %arg8: memref<6x300xf32, #tpu.memory_space<vmem>>, %arg9: memref<6x300xf32, #tpu.memory_space<vmem>>, %arg10: memref<6x300xf32, #tpu.memory_space<vmem>>, %arg11: memref<6x300xf32, #tpu.memory_space<vmem>>, %arg12: memref<6x300xf32, #tpu.memory_space<vmem>>, %arg13: memref<6x300xf32, #tpu.memory_space<vmem>>, %arg14: memref<6x300xf32, #tpu.memory_space<vmem>>, %arg15: memref<6x300xf32, #tpu.memory_space<vmem>>, %arg16: memref<6x300xf32, #tpu.memory_space<vmem>>, %arg17: memref<6x300xf32, #tpu.memory_space<vmem>>, %arg18: memref<6x300xf32, #tpu.memory_space<vmem>>, %arg19: memref<6x300xf32, #tpu.memory_space<vmem>>) attributes {dimension_semantics = [], scalar_prefetch = 0 : i64, scratch_operands = 0 : i64, tpu.core_type = #tpu.core_type<tc>} {
    %get3A = arith.constant 0 : index
    %get3A_0 = arith.constant 0 : index
    %get3A_1 = arith.constant 0 : index
    %get3A_2 = vector.load %arg0[%get3A, %get3A_0, %get3A_1] : memref<16x4x300xf32, #tpu.memory_space<vmem>>, vector<16x4x300xf32>
    %get3A_3 = arith.constant 0 : index
    %get3A_4 = arith.constant 0 : index
    %get3A_5 = vector.load %arg2[%get3A_3, %get3A_4] : memref<16x2xf32, #tpu.memory_space<vmem>>, vector<16x2xf32>
    %slice3A = vector.extract_strided_slice %get3A_2 {offsets = [0, 0, 0], sizes = [16, 1, 300], strides = [1, 1, 1]} : vector<16x4x300xf32> to vector<16x1x300xf32>
    %squeeze3A = vector.shape_cast %slice3A : vector<16x1x300xf32> to vector<16x300xf32>
    %slice3A_6 = vector.extract_strided_slice %get3A_2 {offsets = [0, 1, 0], sizes = [16, 1, 300], strides = [1, 1, 1]} : vector<16x4x300xf32> to vector<16x1x300xf32>
    %squeeze3A_7 = vector.shape_cast %slice3A_6 : vector<16x1x300xf32> to vector<16x300xf32>
    %slice3A_8 = vector.extract_strided_slice %get3A_2 {offsets = [0, 2, 0], sizes = [16, 1, 300], strides = [1, 1, 1]} : vector<16x4x300xf32> to vector<16x1x300xf32>
    %squeeze3A_9 = vector.shape_cast %slice3A_8 : vector<16x1x300xf32> to vector<16x300xf32>
    %slice3A_10 = vector.extract_strided_slice %get3A_2 {offsets = [0, 3, 0], sizes = [16, 1, 300], strides = [1, 1, 1]} : vector<16x4x300xf32> to vector<16x1x300xf32>
    %squeeze3A_11 = vector.shape_cast %slice3A_10 : vector<16x1x300xf32> to vector<16x300xf32>
    %slice3A_12 = vector.extract_strided_slice %get3A_5 {offsets = [0, 0], sizes = [16, 1], strides = [1, 1]} : vector<16x2xf32> to vector<16x1xf32>
    %slice3A_13 = vector.extract_strided_slice %get3A_5 {offsets = [0, 1], sizes = [16, 1], strides = [1, 1]} : vector<16x2xf32> to vector<16x1xf32>
    %mul3A = arith.constant 5.000000e-01 : f32
    %mul3A_14 = vector.broadcast %mul3A : f32 to vector<16x300xf32>
    %mul3A_15 = arith.mulf %mul3A_14, %squeeze3A_11 : vector<16x300xf32>
    %sub3A = arith.subf %squeeze3A_7, %mul3A_15 : vector<16x300xf32>
    %mul3A_16 = vector.broadcast %slice3A_12 : vector<16x1xf32> to vector<16x300xf32>
    %mul3A_17 = arith.mulf %sub3A, %mul3A_16 : vector<16x300xf32>
    %mul3A_18 = arith.constant 5.000000e-01 : f32
    %mul3A_19 = vector.broadcast %mul3A_18 : f32 to vector<16x300xf32>
    %mul3A_20 = arith.mulf %mul3A_19, %squeeze3A_9 : vector<16x300xf32>
    %sub3A_21 = arith.subf %squeeze3A, %mul3A_20 : vector<16x300xf32>
    %mul3A_22 = vector.broadcast %slice3A_13 : vector<16x1xf32> to vector<16x300xf32>
    %mul3A_23 = arith.mulf %sub3A_21, %mul3A_22 : vector<16x300xf32>
    %mul3A_24 = arith.constant 5.000000e-01 : f32
    %mul3A_25 = vector.broadcast %mul3A_24 : f32 to vector<16x300xf32>
    %mul3A_26 = arith.mulf %mul3A_25, %squeeze3A_11 : vector<16x300xf32>
    %add3A = arith.addf %squeeze3A_7, %mul3A_26 : vector<16x300xf32>
    %mul3A_27 = vector.broadcast %slice3A_12 : vector<16x1xf32> to vector<16x300xf32>
    %mul3A_28 = arith.mulf %add3A, %mul3A_27 : vector<16x300xf32>
    %mul3A_29 = arith.constant 5.000000e-01 : f32
    %mul3A_30 = vector.broadcast %mul3A_29 : f32 to vector<16x300xf32>
    %mul3A_31 = arith.mulf %mul3A_30, %squeeze3A_9 : vector<16x300xf32>
    %add3A_32 = arith.addf %squeeze3A, %mul3A_31 : vector<16x300xf32>
    %mul3A_33 = vector.broadcast %slice3A_13 : vector<16x1xf32> to vector<16x300xf32>
    %mul3A_34 = arith.mulf %add3A_32, %mul3A_33 : vector<16x300xf32>
    %get3A_35 = arith.constant 0 : index
    %get3A_36 = arith.constant 0 : index
    %get3A_37 = vector.load %arg1[%get3A_35, %get3A_36] : memref<96x128xf32, #tpu.memory_space<vmem>>, vector<96x128xf32>
    %get3A_38 = arith.constant 0 : index
    %get3A_39 = arith.constant 0 : index
    %get3A_40 = vector.load %arg3[%get3A_38, %get3A_39] : memref<1x1xf32, #tpu.memory_space<vmem>>, vector<1x1xf32>
    %get3A_41 = vector.extract %get3A_40[0, 0] : f32 from vector<1x1xf32>
    %slice3A_42 = vector.extract_strided_slice %get3A_37 {offsets = [0, 0], sizes = [3, 128], strides = [1, 1]} : vector<96x128xf32> to vector<3x128xf32>
    %reshape3A = vector.shape_cast %slice3A_42 : vector<3x128xf32> to vector<384xf32>
    %slice3A_43 = vector.extract_strided_slice %reshape3A {offsets = [0], sizes = [300], strides = [1]} : vector<384xf32> to vector<300xf32>
    %slice3A_44 = vector.extract_strided_slice %get3A_37 {offsets = [48, 0], sizes = [3, 128], strides = [1, 1]} : vector<96x128xf32> to vector<3x128xf32>
    %reshape3A_45 = vector.shape_cast %slice3A_44 : vector<3x128xf32> to vector<384xf32>
    %slice3A_46 = vector.extract_strided_slice %reshape3A_45 {offsets = [0], sizes = [300], strides = [1]} : vector<384xf32> to vector<300xf32>
    %gt3A = vector.broadcast %get3A_41 : f32 to vector<300xf32>
    %gt3A_47 = arith.cmpf ogt, %slice3A_43, %gt3A : vector<300xf32>
    %slice3A_48 = vector.extract_strided_slice %mul3A_17 {offsets = [0, 0], sizes = [1, 300], strides = [1, 1]} : vector<16x300xf32> to vector<1x300xf32>
    %squeeze3A_49 = vector.shape_cast %slice3A_48 : vector<1x300xf32> to vector<300xf32>
    %slice3A_50 = vector.extract_strided_slice %mul3A_23 {offsets = [0, 0], sizes = [1, 300], strides = [1, 1]} : vector<16x300xf32> to vector<1x300xf32>
    %squeeze3A_51 = vector.shape_cast %slice3A_50 : vector<1x300xf32> to vector<300xf32>
    %slice3A_52 = vector.extract_strided_slice %mul3A_28 {offsets = [0, 0], sizes = [1, 300], strides = [1, 1]} : vector<16x300xf32> to vector<1x300xf32>
    %squeeze3A_53 = vector.shape_cast %slice3A_52 : vector<1x300xf32> to vector<300xf32>
    %slice3A_54 = vector.extract_strided_slice %mul3A_34 {offsets = [0, 0], sizes = [1, 300], strides = [1, 1]} : vector<16x300xf32> to vector<1x300xf32>
    %squeeze3A_55 = vector.shape_cast %slice3A_54 : vector<1x300xf32> to vector<300xf32>
    %stack3A = vector.shape_cast %squeeze3A_49 : vector<300xf32> to vector<1x300xf32>
    %stack3A_56 = vector.shape_cast %squeeze3A_51 : vector<300xf32> to vector<1x300xf32>
    %stack3A_57 = vector.shape_cast %squeeze3A_53 : vector<300xf32> to vector<1x300xf32>
    %stack3A_58 = vector.shape_cast %squeeze3A_55 : vector<300xf32> to vector<1x300xf32>
    %stack3A_59 = vector.shape_cast %slice3A_43 : vector<300xf32> to vector<1x300xf32>
    %stack3A_60 = vector.shape_cast %slice3A_46 : vector<300xf32> to vector<1x300xf32>
    %stack3A_61 = tpu.concatenate %stack3A, %stack3A_56, %stack3A_57, %stack3A_58, %stack3A_59, %stack3A_60 in 0 : vector<1x300xf32>, vector<1x300xf32>, vector<1x300xf32>, vector<1x300xf32>, vector<1x300xf32>, vector<1x300xf32> -> vector<6x300xf32>
    %broadcast_in_dim3A = vector.shape_cast %gt3A_47 : vector<300xi1> to vector<1x300xi1>
    %jit3A = arith.constant 0.000000e+00 : f32
    %broadcast_in_dim3A_62 = vector.shape_cast %broadcast_in_dim3A : vector<1x300xi1> to vector<1x300xi1>
    %broadcast_in_dim3A_63 = vector.broadcast %broadcast_in_dim3A_62 : vector<1x300xi1> to vector<6x300xi1>
    %broadcast_in_dim3A_64 = vector.broadcast %jit3A : f32 to vector<6x300xf32>
    %select_n3A = arith.select %broadcast_in_dim3A_63, %stack3A_61, %broadcast_in_dim3A_64 : vector<6x300xi1>, vector<6x300xf32>
    %swap3A = arith.constant 0 : index
    %swap3A_65 = arith.constant 0 : index
    %swap3A_66 = vector.load %arg4[%swap3A, %swap3A_65] : memref<6x300xf32, #tpu.memory_space<vmem>>, vector<6x300xf32>
    tpu.vector_store %arg4[%swap3A, %swap3A_65], %select_n3A {strides = array<i32>} : memref<6x300xf32, #tpu.memory_space<vmem>>, vector<6x300xf32>,
    %slice3A_67 = vector.extract_strided_slice %get3A_37 {offsets = [3, 0], sizes = [3, 128], strides = [1, 1]} : vector<96x128xf32> to vector<3x128xf32>
    %reshape3A_68 = vector.shape_cast %slice3A_67 : vector<3x128xf32> to vector<384xf32>
    %slice3A_69 = vector.extract_strided_slice %reshape3A_68 {offsets = [0], sizes = [300], strides = [1]} : vector<384xf32> to vector<300xf32>
    %slice3A_70 = vector.extract_strided_slice %get3A_37 {offsets = [51, 0], sizes = [3, 128], strides = [1, 1]} : vector<96x128xf32> to vector<3x128xf32>
    %reshape3A_71 = vector.shape_cast %slice3A_70 : vector<3x128xf32> to vector<384xf32>
    %slice3A_72 = vector.extract_strided_slice %reshape3A_71 {offsets = [0], sizes = [300], strides = [1]} : vector<384xf32> to vector<300xf32>
    %gt3A_73 = vector.broadcast %get3A_41 : f32 to vector<300xf32>
    %gt3A_74 = arith.cmpf ogt, %slice3A_69, %gt3A_73 : vector<300xf32>
    %slice3A_75 = vector.extract_strided_slice %mul3A_17 {offsets = [1, 0], sizes = [1, 300], strides = [1, 1]} : vector<16x300xf32> to vector<1x300xf32>
    %squeeze3A_76 = vector.shape_cast %slice3A_75 : vector<1x300xf32> to vector<300xf32>
    %slice3A_77 = vector.extract_strided_slice %mul3A_23 {offsets = [1, 0], sizes = [1, 300], strides = [1, 1]} : vector<16x300xf32> to vector<1x300xf32>
    %squeeze3A_78 = vector.shape_cast %slice3A_77 : vector<1x300xf32> to vector<300xf32>
    %slice3A_79 = vector.extract_strided_slice %mul3A_28 {offsets = [1, 0], sizes = [1, 300], strides = [1, 1]} : vector<16x300xf32> to vector<1x300xf32>
    %squeeze3A_80 = vector.shape_cast %slice3A_79 : vector<1x300xf32> to vector<300xf32>
    %slice3A_81 = vector.extract_strided_slice %mul3A_34 {offsets = [1, 0], sizes = [1, 300], strides = [1, 1]} : vector<16x300xf32> to vector<1x300xf32>
    %squeeze3A_82 = vector.shape_cast %slice3A_81 : vector<1x300xf32> to vector<300xf32>
    %stack3A_83 = vector.shape_cast %squeeze3A_76 : vector<300xf32> to vector<1x300xf32>
    %stack3A_84 = vector.shape_cast %squeeze3A_78 : vector<300xf32> to vector<1x300xf32>
    %stack3A_85 = vector.shape_cast %squeeze3A_80 : vector<300xf32> to vector<1x300xf32>
    %stack3A_86 = vector.shape_cast %squeeze3A_82 : vector<300xf32> to vector<1x300xf32>
    %stack3A_87 = vector.shape_cast %slice3A_69 : vector<300xf32> to vector<1x300xf32>
    %stack3A_88 = vector.shape_cast %slice3A_72 : vector<300xf32> to vector<1x300xf32>
    %stack3A_89 = tpu.concatenate %stack3A_83, %stack3A_84, %stack3A_85, %stack3A_86, %stack3A_87, %stack3A_88 in 0 : vector<1x300xf32>, vector<1x300xf32>, vector<1x300xf32>, vector<1x300xf32>, vector<1x300xf32>, vector<1x300xf32> -> vector<6x300xf32>
    %broadcast_in_dim3A_90 = vector.shape_cast %gt3A_74 : vector<300xi1> to vector<1x300xi1>
    %jit3A_91 = arith.constant 0.000000e+00 : f32
    %broadcast_in_dim3A_92 = vector.shape_cast %broadcast_in_dim3A_90 : vector<1x300xi1> to vector<1x300xi1>
    %broadcast_in_dim3A_93 = vector.broadcast %broadcast_in_dim3A_92 : vector<1x300xi1> to vector<6x300xi1>
    %broadcast_in_dim3A_94 = vector.broadcast %jit3A_91 : f32 to vector<6x300xf32>
    %select_n3A_95 = arith.select %broadcast_in_dim3A_93, %stack3A_89, %broadcast_in_dim3A_94 : vector<6x300xi1>, vector<6x300xf32>
    %swap3A_96 = arith.constant 0 : index
    %swap3A_97 = arith.constant 0 : index
    %swap3A_98 = vector.load %arg5[%swap3A_96, %swap3A_97] : memref<6x300xf32, #tpu.memory_space<vmem>>, vector<6x300xf32>
    tpu.vector_store %arg5[%swap3A_96, %swap3A_97], %select_n3A_95 {strides = array<i32>} : memref<6x300xf32, #tpu.memory_space<vmem>>, vector<6x300xf32>,
    %slice3A_99 = vector.extract_strided_slice %get3A_37 {offsets = [6, 0], sizes = [3, 128], strides = [1, 1]} : vector<96x128xf32> to vector<3x128xf32>
    %reshape3A_100 = vector.shape_cast %slice3A_99 : vector<3x128xf32> to vector<384xf32>
    %slice3A_101 = vector.extract_strided_slice %reshape3A_100 {offsets = [0], sizes = [300], strides = [1]} : vector<384xf32> to vector<300xf32>
    %slice3A_102 = vector.extract_strided_slice %get3A_37 {offsets = [54, 0], sizes = [3, 128], strides = [1, 1]} : vector<96x128xf32> to vector<3x128xf32>
    %reshape3A_103 = vector.shape_cast %slice3A_102 : vector<3x128xf32> to vector<384xf32>
    %slice3A_104 = vector.extract_strided_slice %reshape3A_103 {offsets = [0], sizes = [300], strides = [1]} : vector<384xf32> to vector<300xf32>
    %gt3A_105 = vector.broadcast %get3A_41 : f32 to vector<300xf32>
    %gt3A_106 = arith.cmpf ogt, %slice3A_101, %gt3A_105 : vector<300xf32>
    %slice3A_107 = vector.extract_strided_slice %mul3A_17 {offsets = [2, 0], sizes = [1, 300], strides = [1, 1]} : vector<16x300xf32> to vector<1x300xf32>
    %squeeze3A_108 = vector.shape_cast %slice3A_107 : vector<1x300xf32> to vector<300xf32>
    %slice3A_109 = vector.extract_strided_slice %mul3A_23 {offsets = [2, 0], sizes = [1, 300], strides = [1, 1]} : vector<16x300xf32> to vector<1x300xf32>
    %squeeze3A_110 = vector.shape_cast %slice3A_109 : vector<1x300xf32> to vector<300xf32>
    %slice3A_111 = vector.extract_strided_slice %mul3A_28 {offsets = [2, 0], sizes = [1, 300], strides = [1, 1]} : vector<16x300xf32> to vector<1x300xf32>
    %squeeze3A_112 = vector.shape_cast %slice3A_111 : vector<1x300xf32> to vector<300xf32>
    %slice3A_113 = vector.extract_strided_slice %mul3A_34 {offsets = [2, 0], sizes = [1, 300], strides = [1, 1]} : vector<16x300xf32> to vector<1x300xf32>
    %squeeze3A_114 = vector.shape_cast %slice3A_113 : vector<1x300xf32> to vector<300xf32>
    %stack3A_115 = vector.shape_cast %squeeze3A_108 : vector<300xf32> to vector<1x300xf32>
    %stack3A_116 = vector.shape_cast %squeeze3A_110 : vector<300xf32> to vector<1x300xf32>
    %stack3A_117 = vector.shape_cast %squeeze3A_112 : vector<300xf32> to vector<1x300xf32>
    %stack3A_118 = vector.shape_cast %squeeze3A_114 : vector<300xf32> to vector<1x300xf32>
    %stack3A_119 = vector.shape_cast %slice3A_101 : vector<300xf32> to vector<1x300xf32>
    %stack3A_120 = vector.shape_cast %slice3A_104 : vector<300xf32> to vector<1x300xf32>
    %stack3A_121 = tpu.concatenate %stack3A_115, %stack3A_116, %stack3A_117, %stack3A_118, %stack3A_119, %stack3A_120 in 0 : vector<1x300xf32>, vector<1x300xf32>, vector<1x300xf32>, vector<1x300xf32>, vector<1x300xf32>, vector<1x300xf32> -> vector<6x300xf32>
    %broadcast_in_dim3A_122 = vector.shape_cast %gt3A_106 : vector<300xi1> to vector<1x300xi1>
    %jit3A_123 = arith.constant 0.000000e+00 : f32
    %broadcast_in_dim3A_124 = vector.shape_cast %broadcast_in_dim3A_122 : vector<1x300xi1> to vector<1x300xi1>
    %broadcast_in_dim3A_125 = vector.broadcast %broadcast_in_dim3A_124 : vector<1x300xi1> to vector<6x300xi1>
    %broadcast_in_dim3A_126 = vector.broadcast %jit3A_123 : f32 to vector<6x300xf32>
    %select_n3A_127 = arith.select %broadcast_in_dim3A_125, %stack3A_121, %broadcast_in_dim3A_126 : vector<6x300xi1>, vector<6x300xf32>
    %swap3A_128 = arith.constant 0 : index
    %swap3A_129 = arith.constant 0 : index
    %swap3A_130 = vector.load %arg6[%swap3A_128, %swap3A_129] : memref<6x300xf32, #tpu.memory_space<vmem>>, vector<6x300xf32>
    tpu.vector_store %arg6[%swap3A_128, %swap3A_129], %select_n3A_127 {strides = array<i32>} : memref<6x300xf32, #tpu.memory_space<vmem>>, vector<6x300xf32>,
    %slice3A_131 = vector.extract_strided_slice %get3A_37 {offsets = [9, 0], sizes = [3, 128], strides = [1, 1]} : vector<96x128xf32> to vector<3x128xf32>
    %reshape3A_132 = vector.shape_cast %slice3A_131 : vector<3x128xf32> to vector<384xf32>
    %slice3A_133 = vector.extract_strided_slice %reshape3A_132 {offsets = [0], sizes = [300], strides = [1]} : vector<384xf32> to vector<300xf32>
    %slice3A_134 = vector.extract_strided_slice %get3A_37 {offsets = [57, 0], sizes = [3, 128], strides = [1, 1]} : vector<96x128xf32> to vector<3x128xf32>
    %reshape3A_135 = vector.shape_cast %slice3A_134 : vector<3x128xf32> to vector<384xf32>
    %slice3A_136 = vector.extract_strided_slice %reshape3A_135 {offsets = [0], sizes = [300], strides = [1]} : vector<384xf32> to vector<300xf32>
    %gt3A_137 = vector.broadcast %get3A_41 : f32 to vector<300xf32>
    %gt3A_138 = arith.cmpf ogt, %slice3A_133, %gt3A_137 : vector<300xf32>
    %slice3A_139 = vector.extract_strided_slice %mul3A_17 {offsets = [3, 0], sizes = [1, 300], strides = [1, 1]} : vector<16x300xf32> to vector<1x300xf32>
    %squeeze3A_140 = vector.shape_cast %slice3A_139 : vector<1x300xf32> to vector<300xf32>
    %slice3A_141 = vector.extract_strided_slice %mul3A_23 {offsets = [3, 0], sizes = [1, 300], strides = [1, 1]} : vector<16x300xf32> to vector<1x300xf32>
    %squeeze3A_142 = vector.shape_cast %slice3A_141 : vector<1x300xf32> to vector<300xf32>
    %slice3A_143 = vector.extract_strided_slice %mul3A_28 {offsets = [3, 0], sizes = [1, 300], strides = [1, 1]} : vector<16x300xf32> to vector<1x300xf32>
    %squeeze3A_144 = vector.shape_cast %slice3A_143 : vector<1x300xf32> to vector<300xf32>
    %slice3A_145 = vector.extract_strided_slice %mul3A_34 {offsets = [3, 0], sizes = [1, 300], strides = [1, 1]} : vector<16x300xf32> to vector<1x300xf32>
    %squeeze3A_146 = vector.shape_cast %slice3A_145 : vector<1x300xf32> to vector<300xf32>
    %stack3A_147 = vector.shape_cast %squeeze3A_140 : vector<300xf32> to vector<1x300xf32>
    %stack3A_148 = vector.shape_cast %squeeze3A_142 : vector<300xf32> to vector<1x300xf32>
    %stack3A_149 = vector.shape_cast %squeeze3A_144 : vector<300xf32> to vector<1x300xf32>
    %stack3A_150 = vector.shape_cast %squeeze3A_146 : vector<300xf32> to vector<1x300xf32>
    %stack3A_151 = vector.shape_cast %slice3A_133 : vector<300xf32> to vector<1x300xf32>
    %stack3A_152 = vector.shape_cast %slice3A_136 : vector<300xf32> to vector<1x300xf32>
    %stack3A_153 = tpu.concatenate %stack3A_147, %stack3A_148, %stack3A_149, %stack3A_150, %stack3A_151, %stack3A_152 in 0 : vector<1x300xf32>, vector<1x300xf32>, vector<1x300xf32>, vector<1x300xf32>, vector<1x300xf32>, vector<1x300xf32> -> vector<6x300xf32>
    %broadcast_in_dim3A_154 = vector.shape_cast %gt3A_138 : vector<300xi1> to vector<1x300xi1>
    %jit3A_155 = arith.constant 0.000000e+00 : f32
    %broadcast_in_dim3A_156 = vector.shape_cast %broadcast_in_dim3A_154 : vector<1x300xi1> to vector<1x300xi1>
    %broadcast_in_dim3A_157 = vector.broadcast %broadcast_in_dim3A_156 : vector<1x300xi1> to vector<6x300xi1>
    %broadcast_in_dim3A_158 = vector.broadcast %jit3A_155 : f32 to vector<6x300xf32>
    %select_n3A_159 = arith.select %broadcast_in_dim3A_157, %stack3A_153, %broadcast_in_dim3A_158 : vector<6x300xi1>, vector<6x300xf32>
    %swap3A_160 = arith.constant 0 : index
    %swap3A_161 = arith.constant 0 : index
    %swap3A_162 = vector.load %arg7[%swap3A_160, %swap3A_161] : memref<6x300xf32, #tpu.memory_space<vmem>>, vector<6x300xf32>
    tpu.vector_store %arg7[%swap3A_160, %swap3A_161], %select_n3A_159 {strides = array<i32>} : memref<6x300xf32, #tpu.memory_space<vmem>>, vector<6x300xf32>,
    %slice3A_163 = vector.extract_strided_slice %get3A_37 {offsets = [12, 0], sizes = [3, 128], strides = [1, 1]} : vector<96x128xf32> to vector<3x128xf32>
    %reshape3A_164 = vector.shape_cast %slice3A_163 : vector<3x128xf32> to vector<384xf32>
    %slice3A_165 = vector.extract_strided_slice %reshape3A_164 {offsets = [0], sizes = [300], strides = [1]} : vector<384xf32> to vector<300xf32>
    %slice3A_166 = vector.extract_strided_slice %get3A_37 {offsets = [60, 0], sizes = [3, 128], strides = [1, 1]} : vector<96x128xf32> to vector<3x128xf32>
    %reshape3A_167 = vector.shape_cast %slice3A_166 : vector<3x128xf32> to vector<384xf32>
    %slice3A_168 = vector.extract_strided_slice %reshape3A_167 {offsets = [0], sizes = [300], strides = [1]} : vector<384xf32> to vector<300xf32>
    %gt3A_169 = vector.broadcast %get3A_41 : f32 to vector<300xf32>
    %gt3A_170 = arith.cmpf ogt, %slice3A_165, %gt3A_169 : vector<300xf32>
    %slice3A_171 = vector.extract_strided_slice %mul3A_17 {offsets = [4, 0], sizes = [1, 300], strides = [1, 1]} : vector<16x300xf32> to vector<1x300xf32>
    %squeeze3A_172 = vector.shape_cast %slice3A_171 : vector<1x300xf32> to vector<300xf32>
    %slice3A_173 = vector.extract_strided_slice %mul3A_23 {offsets = [4, 0], sizes = [1, 300], strides = [1, 1]} : vector<16x300xf32> to vector<1x300xf32>
    %squeeze3A_174 = vector.shape_cast %slice3A_173 : vector<1x300xf32> to vector<300xf32>
    %slice3A_175 = vector.extract_strided_slice %mul3A_28 {offsets = [4, 0], sizes = [1, 300], strides = [1, 1]} : vector<16x300xf32> to vector<1x300xf32>
    %squeeze3A_176 = vector.shape_cast %slice3A_175 : vector<1x300xf32> to vector<300xf32>
    %slice3A_177 = vector.extract_strided_slice %mul3A_34 {offsets = [4, 0], sizes = [1, 300], strides = [1, 1]} : vector<16x300xf32> to vector<1x300xf32>
    %squeeze3A_178 = vector.shape_cast %slice3A_177 : vector<1x300xf32> to vector<300xf32>
    %stack3A_179 = vector.shape_cast %squeeze3A_172 : vector<300xf32> to vector<1x300xf32>
    %stack3A_180 = vector.shape_cast %squeeze3A_174 : vector<300xf32> to vector<1x300xf32>
    %stack3A_181 = vector.shape_cast %squeeze3A_176 : vector<300xf32> to vector<1x300xf32>
    %stack3A_182 = vector.shape_cast %squeeze3A_178 : vector<300xf32> to vector<1x300xf32>
    %stack3A_183 = vector.shape_cast %slice3A_165 : vector<300xf32> to vector<1x300xf32>
    %stack3A_184 = vector.shape_cast %slice3A_168 : vector<300xf32> to vector<1x300xf32>
    %stack3A_185 = tpu.concatenate %stack3A_179, %stack3A_180, %stack3A_181, %stack3A_182, %stack3A_183, %stack3A_184 in 0 : vector<1x300xf32>, vector<1x300xf32>, vector<1x300xf32>, vector<1x300xf32>, vector<1x300xf32>, vector<1x300xf32> -> vector<6x300xf32>
    %broadcast_in_dim3A_186 = vector.shape_cast %gt3A_170 : vector<300xi1> to vector<1x300xi1>
    %jit3A_187 = arith.constant 0.000000e+00 : f32
    %broadcast_in_dim3A_188 = vector.shape_cast %broadcast_in_dim3A_186 : vector<1x300xi1> to vector<1x300xi1>
    %broadcast_in_dim3A_189 = vector.broadcast %broadcast_in_dim3A_188 : vector<1x300xi1> to vector<6x300xi1>
    %broadcast_in_dim3A_190 = vector.broadcast %jit3A_187 : f32 to vector<6x300xf32>
    %select_n3A_191 = arith.select %broadcast_in_dim3A_189, %stack3A_185, %broadcast_in_dim3A_190 : vector<6x300xi1>, vector<6x300xf32>
    %swap3A_192 = arith.constant 0 : index
    %swap3A_193 = arith.constant 0 : index
    %swap3A_194 = vector.load %arg8[%swap3A_192, %swap3A_193] : memref<6x300xf32, #tpu.memory_space<vmem>>, vector<6x300xf32>
    tpu.vector_store %arg8[%swap3A_192, %swap3A_193], %select_n3A_191 {strides = array<i32>} : memref<6x300xf32, #tpu.memory_space<vmem>>, vector<6x300xf32>,
    %slice3A_195 = vector.extract_strided_slice %get3A_37 {offsets = [15, 0], sizes = [3, 128], strides = [1, 1]} : vector<96x128xf32> to vector<3x128xf32>
    %reshape3A_196 = vector.shape_cast %slice3A_195 : vector<3x128xf32> to vector<384xf32>
    %slice3A_197 = vector.extract_strided_slice %reshape3A_196 {offsets = [0], sizes = [300], strides = [1]} : vector<384xf32> to vector<300xf32>
    %slice3A_198 = vector.extract_strided_slice %get3A_37 {offsets = [63, 0], sizes = [3, 128], strides = [1, 1]} : vector<96x128xf32> to vector<3x128xf32>
    %reshape3A_199 = vector.shape_cast %slice3A_198 : vector<3x128xf32> to vector<384xf32>
    %slice3A_200 = vector.extract_strided_slice %reshape3A_199 {offsets = [0], sizes = [300], strides = [1]} : vector<384xf32> to vector<300xf32>
    %gt3A_201 = vector.broadcast %get3A_41 : f32 to vector<300xf32>
    %gt3A_202 = arith.cmpf ogt, %slice3A_197, %gt3A_201 : vector<300xf32>
    %slice3A_203 = vector.extract_strided_slice %mul3A_17 {offsets = [5, 0], sizes = [1, 300], strides = [1, 1]} : vector<16x300xf32> to vector<1x300xf32>
    %squeeze3A_204 = vector.shape_cast %slice3A_203 : vector<1x300xf32> to vector<300xf32>
    %slice3A_205 = vector.extract_strided_slice %mul3A_23 {offsets = [5, 0], sizes = [1, 300], strides = [1, 1]} : vector<16x300xf32> to vector<1x300xf32>
    %squeeze3A_206 = vector.shape_cast %slice3A_205 : vector<1x300xf32> to vector<300xf32>
    %slice3A_207 = vector.extract_strided_slice %mul3A_28 {offsets = [5, 0], sizes = [1, 300], strides = [1, 1]} : vector<16x300xf32> to vector<1x300xf32>
    %squeeze3A_208 = vector.shape_cast %slice3A_207 : vector<1x300xf32> to vector<300xf32>
    %slice3A_209 = vector.extract_strided_slice %mul3A_34 {offsets = [5, 0], sizes = [1, 300], strides = [1, 1]} : vector<16x300xf32> to vector<1x300xf32>
    %squeeze3A_210 = vector.shape_cast %slice3A_209 : vector<1x300xf32> to vector<300xf32>
    %stack3A_211 = vector.shape_cast %squeeze3A_204 : vector<300xf32> to vector<1x300xf32>
    %stack3A_212 = vector.shape_cast %squeeze3A_206 : vector<300xf32> to vector<1x300xf32>
    %stack3A_213 = vector.shape_cast %squeeze3A_208 : vector<300xf32> to vector<1x300xf32>
    %stack3A_214 = vector.shape_cast %squeeze3A_210 : vector<300xf32> to vector<1x300xf32>
    %stack3A_215 = vector.shape_cast %slice3A_197 : vector<300xf32> to vector<1x300xf32>
    %stack3A_216 = vector.shape_cast %slice3A_200 : vector<300xf32> to vector<1x300xf32>
    %stack3A_217 = tpu.concatenate %stack3A_211, %stack3A_212, %stack3A_213, %stack3A_214, %stack3A_215, %stack3A_216 in 0 : vector<1x300xf32>, vector<1x300xf32>, vector<1x300xf32>, vector<1x300xf32>, vector<1x300xf32>, vector<1x300xf32> -> vector<6x300xf32>
    %broadcast_in_dim3A_218 = vector.shape_cast %gt3A_202 : vector<300xi1> to vector<1x300xi1>
    %jit3A_219 = arith.constant 0.000000e+00 : f32
    %broadcast_in_dim3A_220 = vector.shape_cast %broadcast_in_dim3A_218 : vector<1x300xi1> to vector<1x300xi1>
    %broadcast_in_dim3A_221 = vector.broadcast %broadcast_in_dim3A_220 : vector<1x300xi1> to vector<6x300xi1>
    %broadcast_in_dim3A_222 = vector.broadcast %jit3A_219 : f32 to vector<6x300xf32>
    %select_n3A_223 = arith.select %broadcast_in_dim3A_221, %stack3A_217, %broadcast_in_dim3A_222 : vector<6x300xi1>, vector<6x300xf32>
    %swap3A_224 = arith.constant 0 : index
    %swap3A_225 = arith.constant 0 : index
    %swap3A_226 = vector.load %arg9[%swap3A_224, %swap3A_225] : memref<6x300xf32, #tpu.memory_space<vmem>>, vector<6x300xf32>
    tpu.vector_store %arg9[%swap3A_224, %swap3A_225], %select_n3A_223 {strides = array<i32>} : memref<6x300xf32, #tpu.memory_space<vmem>>, vector<6x300xf32>,
    %slice3A_227 = vector.extract_strided_slice %get3A_37 {offsets = [18, 0], sizes = [3, 128], strides = [1, 1]} : vector<96x128xf32> to vector<3x128xf32>
    %reshape3A_228 = vector.shape_cast %slice3A_227 : vector<3x128xf32> to vector<384xf32>
    %slice3A_229 = vector.extract_strided_slice %reshape3A_228 {offsets = [0], sizes = [300], strides = [1]} : vector<384xf32> to vector<300xf32>
    %slice3A_230 = vector.extract_strided_slice %get3A_37 {offsets = [66, 0], sizes = [3, 128], strides = [1, 1]} : vector<96x128xf32> to vector<3x128xf32>
    %reshape3A_231 = vector.shape_cast %slice3A_230 : vector<3x128xf32> to vector<384xf32>
    %slice3A_232 = vector.extract_strided_slice %reshape3A_231 {offsets = [0], sizes = [300], strides = [1]} : vector<384xf32> to vector<300xf32>
    %gt3A_233 = vector.broadcast %get3A_41 : f32 to vector<300xf32>
    %gt3A_234 = arith.cmpf ogt, %slice3A_229, %gt3A_233 : vector<300xf32>
    %slice3A_235 = vector.extract_strided_slice %mul3A_17 {offsets = [6, 0], sizes = [1, 300], strides = [1, 1]} : vector<16x300xf32> to vector<1x300xf32>
    %squeeze3A_236 = vector.shape_cast %slice3A_235 : vector<1x300xf32> to vector<300xf32>
    %slice3A_237 = vector.extract_strided_slice %mul3A_23 {offsets = [6, 0], sizes = [1, 300], strides = [1, 1]} : vector<16x300xf32> to vector<1x300xf32>
    %squeeze3A_238 = vector.shape_cast %slice3A_237 : vector<1x300xf32> to vector<300xf32>
    %slice3A_239 = vector.extract_strided_slice %mul3A_28 {offsets = [6, 0], sizes = [1, 300], strides = [1, 1]} : vector<16x300xf32> to vector<1x300xf32>
    %squeeze3A_240 = vector.shape_cast %slice3A_239 : vector<1x300xf32> to vector<300xf32>
    %slice3A_241 = vector.extract_strided_slice %mul3A_34 {offsets = [6, 0], sizes = [1, 300], strides = [1, 1]} : vector<16x300xf32> to vector<1x300xf32>
    %squeeze3A_242 = vector.shape_cast %slice3A_241 : vector<1x300xf32> to vector<300xf32>
    %stack3A_243 = vector.shape_cast %squeeze3A_236 : vector<300xf32> to vector<1x300xf32>
    %stack3A_244 = vector.shape_cast %squeeze3A_238 : vector<300xf32> to vector<1x300xf32>
    %stack3A_245 = vector.shape_cast %squeeze3A_240 : vector<300xf32> to vector<1x300xf32>
    %stack3A_246 = vector.shape_cast %squeeze3A_242 : vector<300xf32> to vector<1x300xf32>
    %stack3A_247 = vector.shape_cast %slice3A_229 : vector<300xf32> to vector<1x300xf32>
    %stack3A_248 = vector.shape_cast %slice3A_232 : vector<300xf32> to vector<1x300xf32>
    %stack3A_249 = tpu.concatenate %stack3A_243, %stack3A_244, %stack3A_245, %stack3A_246, %stack3A_247, %stack3A_248 in 0 : vector<1x300xf32>, vector<1x300xf32>, vector<1x300xf32>, vector<1x300xf32>, vector<1x300xf32>, vector<1x300xf32> -> vector<6x300xf32>
    %broadcast_in_dim3A_250 = vector.shape_cast %gt3A_234 : vector<300xi1> to vector<1x300xi1>
    %jit3A_251 = arith.constant 0.000000e+00 : f32
    %broadcast_in_dim3A_252 = vector.shape_cast %broadcast_in_dim3A_250 : vector<1x300xi1> to vector<1x300xi1>
    %broadcast_in_dim3A_253 = vector.broadcast %broadcast_in_dim3A_252 : vector<1x300xi1> to vector<6x300xi1>
    %broadcast_in_dim3A_254 = vector.broadcast %jit3A_251 : f32 to vector<6x300xf32>
    %select_n3A_255 = arith.select %broadcast_in_dim3A_253, %stack3A_249, %broadcast_in_dim3A_254 : vector<6x300xi1>, vector<6x300xf32>
    %swap3A_256 = arith.constant 0 : index
    %swap3A_257 = arith.constant 0 : index
    %swap3A_258 = vector.load %arg10[%swap3A_256, %swap3A_257] : memref<6x300xf32, #tpu.memory_space<vmem>>, vector<6x300xf32>
    tpu.vector_store %arg10[%swap3A_256, %swap3A_257], %select_n3A_255 {strides = array<i32>} : memref<6x300xf32, #tpu.memory_space<vmem>>, vector<6x300xf32>,
    %slice3A_259 = vector.extract_strided_slice %get3A_37 {offsets = [21, 0], sizes = [3, 128], strides = [1, 1]} : vector<96x128xf32> to vector<3x128xf32>
    %reshape3A_260 = vector.shape_cast %slice3A_259 : vector<3x128xf32> to vector<384xf32>
    %slice3A_261 = vector.extract_strided_slice %reshape3A_260 {offsets = [0], sizes = [300], strides = [1]} : vector<384xf32> to vector<300xf32>
    %slice3A_262 = vector.extract_strided_slice %get3A_37 {offsets = [69, 0], sizes = [3, 128], strides = [1, 1]} : vector<96x128xf32> to vector<3x128xf32>
    %reshape3A_263 = vector.shape_cast %slice3A_262 : vector<3x128xf32> to vector<384xf32>
    %slice3A_264 = vector.extract_strided_slice %reshape3A_263 {offsets = [0], sizes = [300], strides = [1]} : vector<384xf32> to vector<300xf32>
    %gt3A_265 = vector.broadcast %get3A_41 : f32 to vector<300xf32>
    %gt3A_266 = arith.cmpf ogt, %slice3A_261, %gt3A_265 : vector<300xf32>
    %slice3A_267 = vector.extract_strided_slice %mul3A_17 {offsets = [7, 0], sizes = [1, 300], strides = [1, 1]} : vector<16x300xf32> to vector<1x300xf32>
    %squeeze3A_268 = vector.shape_cast %slice3A_267 : vector<1x300xf32> to vector<300xf32>
    %slice3A_269 = vector.extract_strided_slice %mul3A_23 {offsets = [7, 0], sizes = [1, 300], strides = [1, 1]} : vector<16x300xf32> to vector<1x300xf32>
    %squeeze3A_270 = vector.shape_cast %slice3A_269 : vector<1x300xf32> to vector<300xf32>
    %slice3A_271 = vector.extract_strided_slice %mul3A_28 {offsets = [7, 0], sizes = [1, 300], strides = [1, 1]} : vector<16x300xf32> to vector<1x300xf32>
    %squeeze3A_272 = vector.shape_cast %slice3A_271 : vector<1x300xf32> to vector<300xf32>
    %slice3A_273 = vector.extract_strided_slice %mul3A_34 {offsets = [7, 0], sizes = [1, 300], strides = [1, 1]} : vector<16x300xf32> to vector<1x300xf32>
    %squeeze3A_274 = vector.shape_cast %slice3A_273 : vector<1x300xf32> to vector<300xf32>
    %stack3A_275 = vector.shape_cast %squeeze3A_268 : vector<300xf32> to vector<1x300xf32>
    %stack3A_276 = vector.shape_cast %squeeze3A_270 : vector<300xf32> to vector<1x300xf32>
    %stack3A_277 = vector.shape_cast %squeeze3A_272 : vector<300xf32> to vector<1x300xf32>
    %stack3A_278 = vector.shape_cast %squeeze3A_274 : vector<300xf32> to vector<1x300xf32>
    %stack3A_279 = vector.shape_cast %slice3A_261 : vector<300xf32> to vector<1x300xf32>
    %stack3A_280 = vector.shape_cast %slice3A_264 : vector<300xf32> to vector<1x300xf32>
    %stack3A_281 = tpu.concatenate %stack3A_275, %stack3A_276, %stack3A_277, %stack3A_278, %stack3A_279, %stack3A_280 in 0 : vector<1x300xf32>, vector<1x300xf32>, vector<1x300xf32>, vector<1x300xf32>, vector<1x300xf32>, vector<1x300xf32> -> vector<6x300xf32>
    %broadcast_in_dim3A_282 = vector.shape_cast %gt3A_266 : vector<300xi1> to vector<1x300xi1>
    %jit3A_283 = arith.constant 0.000000e+00 : f32
    %broadcast_in_dim3A_284 = vector.shape_cast %broadcast_in_dim3A_282 : vector<1x300xi1> to vector<1x300xi1>
    %broadcast_in_dim3A_285 = vector.broadcast %broadcast_in_dim3A_284 : vector<1x300xi1> to vector<6x300xi1>
    %broadcast_in_dim3A_286 = vector.broadcast %jit3A_283 : f32 to vector<6x300xf32>
    %select_n3A_287 = arith.select %broadcast_in_dim3A_285, %stack3A_281, %broadcast_in_dim3A_286 : vector<6x300xi1>, vector<6x300xf32>
    %swap3A_288 = arith.constant 0 : index
    %swap3A_289 = arith.constant 0 : index
    %swap3A_290 = vector.load %arg11[%swap3A_288, %swap3A_289] : memref<6x300xf32, #tpu.memory_space<vmem>>, vector<6x300xf32>
    tpu.vector_store %arg11[%swap3A_288, %swap3A_289], %select_n3A_287 {strides = array<i32>} : memref<6x300xf32, #tpu.memory_space<vmem>>, vector<6x300xf32>,
    %slice3A_291 = vector.extract_strided_slice %get3A_37 {offsets = [24, 0], sizes = [3, 128], strides = [1, 1]} : vector<96x128xf32> to vector<3x128xf32>
    %reshape3A_292 = vector.shape_cast %slice3A_291 : vector<3x128xf32> to vector<384xf32>
    %slice3A_293 = vector.extract_strided_slice %reshape3A_292 {offsets = [0], sizes = [300], strides = [1]} : vector<384xf32> to vector<300xf32>
    %slice3A_294 = vector.extract_strided_slice %get3A_37 {offsets = [72, 0], sizes = [3, 128], strides = [1, 1]} : vector<96x128xf32> to vector<3x128xf32>
    %reshape3A_295 = vector.shape_cast %slice3A_294 : vector<3x128xf32> to vector<384xf32>
    %slice3A_296 = vector.extract_strided_slice %reshape3A_295 {offsets = [0], sizes = [300], strides = [1]} : vector<384xf32> to vector<300xf32>
    %gt3A_297 = vector.broadcast %get3A_41 : f32 to vector<300xf32>
    %gt3A_298 = arith.cmpf ogt, %slice3A_293, %gt3A_297 : vector<300xf32>
    %slice3A_299 = vector.extract_strided_slice %mul3A_17 {offsets = [8, 0], sizes = [1, 300], strides = [1, 1]} : vector<16x300xf32> to vector<1x300xf32>
    %squeeze3A_300 = vector.shape_cast %slice3A_299 : vector<1x300xf32> to vector<300xf32>
    %slice3A_301 = vector.extract_strided_slice %mul3A_23 {offsets = [8, 0], sizes = [1, 300], strides = [1, 1]} : vector<16x300xf32> to vector<1x300xf32>
    %squeeze3A_302 = vector.shape_cast %slice3A_301 : vector<1x300xf32> to vector<300xf32>
    %slice3A_303 = vector.extract_strided_slice %mul3A_28 {offsets = [8, 0], sizes = [1, 300], strides = [1, 1]} : vector<16x300xf32> to vector<1x300xf32>
    %squeeze3A_304 = vector.shape_cast %slice3A_303 : vector<1x300xf32> to vector<300xf32>
    %slice3A_305 = vector.extract_strided_slice %mul3A_34 {offsets = [8, 0], sizes = [1, 300], strides = [1, 1]} : vector<16x300xf32> to vector<1x300xf32>
    %squeeze3A_306 = vector.shape_cast %slice3A_305 : vector<1x300xf32> to vector<300xf32>
    %stack3A_307 = vector.shape_cast %squeeze3A_300 : vector<300xf32> to vector<1x300xf32>
    %stack3A_308 = vector.shape_cast %squeeze3A_302 : vector<300xf32> to vector<1x300xf32>
    %stack3A_309 = vector.shape_cast %squeeze3A_304 : vector<300xf32> to vector<1x300xf32>
    %stack3A_310 = vector.shape_cast %squeeze3A_306 : vector<300xf32> to vector<1x300xf32>
    %stack3A_311 = vector.shape_cast %slice3A_293 : vector<300xf32> to vector<1x300xf32>
    %stack3A_312 = vector.shape_cast %slice3A_296 : vector<300xf32> to vector<1x300xf32>
    %stack3A_313 = tpu.concatenate %stack3A_307, %stack3A_308, %stack3A_309, %stack3A_310, %stack3A_311, %stack3A_312 in 0 : vector<1x300xf32>, vector<1x300xf32>, vector<1x300xf32>, vector<1x300xf32>, vector<1x300xf32>, vector<1x300xf32> -> vector<6x300xf32>
    %broadcast_in_dim3A_314 = vector.shape_cast %gt3A_298 : vector<300xi1> to vector<1x300xi1>
    %jit3A_315 = arith.constant 0.000000e+00 : f32
    %broadcast_in_dim3A_316 = vector.shape_cast %broadcast_in_dim3A_314 : vector<1x300xi1> to vector<1x300xi1>
    %broadcast_in_dim3A_317 = vector.broadcast %broadcast_in_dim3A_316 : vector<1x300xi1> to vector<6x300xi1>
    %broadcast_in_dim3A_318 = vector.broadcast %jit3A_315 : f32 to vector<6x300xf32>
    %select_n3A_319 = arith.select %broadcast_in_dim3A_317, %stack3A_313, %broadcast_in_dim3A_318 : vector<6x300xi1>, vector<6x300xf32>
    %swap3A_320 = arith.constant 0 : index
    %swap3A_321 = arith.constant 0 : index
    %swap3A_322 = vector.load %arg12[%swap3A_320, %swap3A_321] : memref<6x300xf32, #tpu.memory_space<vmem>>, vector<6x300xf32>
    tpu.vector_store %arg12[%swap3A_320, %swap3A_321], %select_n3A_319 {strides = array<i32>} : memref<6x300xf32, #tpu.memory_space<vmem>>, vector<6x300xf32>,
    %slice3A_323 = vector.extract_strided_slice %get3A_37 {offsets = [27, 0], sizes = [3, 128], strides = [1, 1]} : vector<96x128xf32> to vector<3x128xf32>
    %reshape3A_324 = vector.shape_cast %slice3A_323 : vector<3x128xf32> to vector<384xf32>
    %slice3A_325 = vector.extract_strided_slice %reshape3A_324 {offsets = [0], sizes = [300], strides = [1]} : vector<384xf32> to vector<300xf32>
    %slice3A_326 = vector.extract_strided_slice %get3A_37 {offsets = [75, 0], sizes = [3, 128], strides = [1, 1]} : vector<96x128xf32> to vector<3x128xf32>
    %reshape3A_327 = vector.shape_cast %slice3A_326 : vector<3x128xf32> to vector<384xf32>
    %slice3A_328 = vector.extract_strided_slice %reshape3A_327 {offsets = [0], sizes = [300], strides = [1]} : vector<384xf32> to vector<300xf32>
    %gt3A_329 = vector.broadcast %get3A_41 : f32 to vector<300xf32>
    %gt3A_330 = arith.cmpf ogt, %slice3A_325, %gt3A_329 : vector<300xf32>
    %slice3A_331 = vector.extract_strided_slice %mul3A_17 {offsets = [9, 0], sizes = [1, 300], strides = [1, 1]} : vector<16x300xf32> to vector<1x300xf32>
    %squeeze3A_332 = vector.shape_cast %slice3A_331 : vector<1x300xf32> to vector<300xf32>
    %slice3A_333 = vector.extract_strided_slice %mul3A_23 {offsets = [9, 0], sizes = [1, 300], strides = [1, 1]} : vector<16x300xf32> to vector<1x300xf32>
    %squeeze3A_334 = vector.shape_cast %slice3A_333 : vector<1x300xf32> to vector<300xf32>
    %slice3A_335 = vector.extract_strided_slice %mul3A_28 {offsets = [9, 0], sizes = [1, 300], strides = [1, 1]} : vector<16x300xf32> to vector<1x300xf32>
    %squeeze3A_336 = vector.shape_cast %slice3A_335 : vector<1x300xf32> to vector<300xf32>
    %slice3A_337 = vector.extract_strided_slice %mul3A_34 {offsets = [9, 0], sizes = [1, 300], strides = [1, 1]} : vector<16x300xf32> to vector<1x300xf32>
    %squeeze3A_338 = vector.shape_cast %slice3A_337 : vector<1x300xf32> to vector<300xf32>
    %stack3A_339 = vector.shape_cast %squeeze3A_332 : vector<300xf32> to vector<1x300xf32>
    %stack3A_340 = vector.shape_cast %squeeze3A_334 : vector<300xf32> to vector<1x300xf32>
    %stack3A_341 = vector.shape_cast %squeeze3A_336 : vector<300xf32> to vector<1x300xf32>
    %stack3A_342 = vector.shape_cast %squeeze3A_338 : vector<300xf32> to vector<1x300xf32>
    %stack3A_343 = vector.shape_cast %slice3A_325 : vector<300xf32> to vector<1x300xf32>
    %stack3A_344 = vector.shape_cast %slice3A_328 : vector<300xf32> to vector<1x300xf32>
    %stack3A_345 = tpu.concatenate %stack3A_339, %stack3A_340, %stack3A_341, %stack3A_342, %stack3A_343, %stack3A_344 in 0 : vector<1x300xf32>, vector<1x300xf32>, vector<1x300xf32>, vector<1x300xf32>, vector<1x300xf32>, vector<1x300xf32> -> vector<6x300xf32>
    %broadcast_in_dim3A_346 = vector.shape_cast %gt3A_330 : vector<300xi1> to vector<1x300xi1>
    %jit3A_347 = arith.constant 0.000000e+00 : f32
    %broadcast_in_dim3A_348 = vector.shape_cast %broadcast_in_dim3A_346 : vector<1x300xi1> to vector<1x300xi1>
    %broadcast_in_dim3A_349 = vector.broadcast %broadcast_in_dim3A_348 : vector<1x300xi1> to vector<6x300xi1>
    %broadcast_in_dim3A_350 = vector.broadcast %jit3A_347 : f32 to vector<6x300xf32>
    %select_n3A_351 = arith.select %broadcast_in_dim3A_349, %stack3A_345, %broadcast_in_dim3A_350 : vector<6x300xi1>, vector<6x300xf32>
    %swap3A_352 = arith.constant 0 : index
    %swap3A_353 = arith.constant 0 : index
    %swap3A_354 = vector.load %arg13[%swap3A_352, %swap3A_353] : memref<6x300xf32, #tpu.memory_space<vmem>>, vector<6x300xf32>
    tpu.vector_store %arg13[%swap3A_352, %swap3A_353], %select_n3A_351 {strides = array<i32>} : memref<6x300xf32, #tpu.memory_space<vmem>>, vector<6x300xf32>,
    %slice3A_355 = vector.extract_strided_slice %get3A_37 {offsets = [30, 0], sizes = [3, 128], strides = [1, 1]} : vector<96x128xf32> to vector<3x128xf32>
    %reshape3A_356 = vector.shape_cast %slice3A_355 : vector<3x128xf32> to vector<384xf32>
    %slice3A_357 = vector.extract_strided_slice %reshape3A_356 {offsets = [0], sizes = [300], strides = [1]} : vector<384xf32> to vector<300xf32>
    %slice3A_358 = vector.extract_strided_slice %get3A_37 {offsets = [78, 0], sizes = [3, 128], strides = [1, 1]} : vector<96x128xf32> to vector<3x128xf32>
    %reshape3A_359 = vector.shape_cast %slice3A_358 : vector<3x128xf32> to vector<384xf32>
    %slice3A_360 = vector.extract_strided_slice %reshape3A_359 {offsets = [0], sizes = [300], strides = [1]} : vector<384xf32> to vector<300xf32>
    %gt3A_361 = vector.broadcast %get3A_41 : f32 to vector<300xf32>
    %gt3A_362 = arith.cmpf ogt, %slice3A_357, %gt3A_361 : vector<300xf32>
    %slice3A_363 = vector.extract_strided_slice %mul3A_17 {offsets = [10, 0], sizes = [1, 300], strides = [1, 1]} : vector<16x300xf32> to vector<1x300xf32>
    %squeeze3A_364 = vector.shape_cast %slice3A_363 : vector<1x300xf32> to vector<300xf32>
    %slice3A_365 = vector.extract_strided_slice %mul3A_23 {offsets = [10, 0], sizes = [1, 300], strides = [1, 1]} : vector<16x300xf32> to vector<1x300xf32>
    %squeeze3A_366 = vector.shape_cast %slice3A_365 : vector<1x300xf32> to vector<300xf32>
    %slice3A_367 = vector.extract_strided_slice %mul3A_28 {offsets = [10, 0], sizes = [1, 300], strides = [1, 1]} : vector<16x300xf32> to vector<1x300xf32>
    %squeeze3A_368 = vector.shape_cast %slice3A_367 : vector<1x300xf32> to vector<300xf32>
    %slice3A_369 = vector.extract_strided_slice %mul3A_34 {offsets = [10, 0], sizes = [1, 300], strides = [1, 1]} : vector<16x300xf32> to vector<1x300xf32>
    %squeeze3A_370 = vector.shape_cast %slice3A_369 : vector<1x300xf32> to vector<300xf32>
    %stack3A_371 = vector.shape_cast %squeeze3A_364 : vector<300xf32> to vector<1x300xf32>
    %stack3A_372 = vector.shape_cast %squeeze3A_366 : vector<300xf32> to vector<1x300xf32>
    %stack3A_373 = vector.shape_cast %squeeze3A_368 : vector<300xf32> to vector<1x300xf32>
    %stack3A_374 = vector.shape_cast %squeeze3A_370 : vector<300xf32> to vector<1x300xf32>
    %stack3A_375 = vector.shape_cast %slice3A_357 : vector<300xf32> to vector<1x300xf32>
    %stack3A_376 = vector.shape_cast %slice3A_360 : vector<300xf32> to vector<1x300xf32>
    %stack3A_377 = tpu.concatenate %stack3A_371, %stack3A_372, %stack3A_373, %stack3A_374, %stack3A_375, %stack3A_376 in 0 : vector<1x300xf32>, vector<1x300xf32>, vector<1x300xf32>, vector<1x300xf32>, vector<1x300xf32>, vector<1x300xf32> -> vector<6x300xf32>
    %broadcast_in_dim3A_378 = vector.shape_cast %gt3A_362 : vector<300xi1> to vector<1x300xi1>
    %jit3A_379 = arith.constant 0.000000e+00 : f32
    %broadcast_in_dim3A_380 = vector.shape_cast %broadcast_in_dim3A_378 : vector<1x300xi1> to vector<1x300xi1>
    %broadcast_in_dim3A_381 = vector.broadcast %broadcast_in_dim3A_380 : vector<1x300xi1> to vector<6x300xi1>
    %broadcast_in_dim3A_382 = vector.broadcast %jit3A_379 : f32 to vector<6x300xf32>
    %select_n3A_383 = arith.select %broadcast_in_dim3A_381, %stack3A_377, %broadcast_in_dim3A_382 : vector<6x300xi1>, vector<6x300xf32>
    %swap3A_384 = arith.constant 0 : index
    %swap3A_385 = arith.constant 0 : index
    %swap3A_386 = vector.load %arg14[%swap3A_384, %swap3A_385] : memref<6x300xf32, #tpu.memory_space<vmem>>, vector<6x300xf32>
    tpu.vector_store %arg14[%swap3A_384, %swap3A_385], %select_n3A_383 {strides = array<i32>} : memref<6x300xf32, #tpu.memory_space<vmem>>, vector<6x300xf32>,
    %slice3A_387 = vector.extract_strided_slice %get3A_37 {offsets = [33, 0], sizes = [3, 128], strides = [1, 1]} : vector<96x128xf32> to vector<3x128xf32>
    %reshape3A_388 = vector.shape_cast %slice3A_387 : vector<3x128xf32> to vector<384xf32>
    %slice3A_389 = vector.extract_strided_slice %reshape3A_388 {offsets = [0], sizes = [300], strides = [1]} : vector<384xf32> to vector<300xf32>
    %slice3A_390 = vector.extract_strided_slice %get3A_37 {offsets = [81, 0], sizes = [3, 128], strides = [1, 1]} : vector<96x128xf32> to vector<3x128xf32>
    %reshape3A_391 = vector.shape_cast %slice3A_390 : vector<3x128xf32> to vector<384xf32>
    %slice3A_392 = vector.extract_strided_slice %reshape3A_391 {offsets = [0], sizes = [300], strides = [1]} : vector<384xf32> to vector<300xf32>
    %gt3A_393 = vector.broadcast %get3A_41 : f32 to vector<300xf32>
    %gt3A_394 = arith.cmpf ogt, %slice3A_389, %gt3A_393 : vector<300xf32>
    %slice3A_395 = vector.extract_strided_slice %mul3A_17 {offsets = [11, 0], sizes = [1, 300], strides = [1, 1]} : vector<16x300xf32> to vector<1x300xf32>
    %squeeze3A_396 = vector.shape_cast %slice3A_395 : vector<1x300xf32> to vector<300xf32>
    %slice3A_397 = vector.extract_strided_slice %mul3A_23 {offsets = [11, 0], sizes = [1, 300], strides = [1, 1]} : vector<16x300xf32> to vector<1x300xf32>
    %squeeze3A_398 = vector.shape_cast %slice3A_397 : vector<1x300xf32> to vector<300xf32>
    %slice3A_399 = vector.extract_strided_slice %mul3A_28 {offsets = [11, 0], sizes = [1, 300], strides = [1, 1]} : vector<16x300xf32> to vector<1x300xf32>
    %squeeze3A_400 = vector.shape_cast %slice3A_399 : vector<1x300xf32> to vector<300xf32>
    %slice3A_401 = vector.extract_strided_slice %mul3A_34 {offsets = [11, 0], sizes = [1, 300], strides = [1, 1]} : vector<16x300xf32> to vector<1x300xf32>
    %squeeze3A_402 = vector.shape_cast %slice3A_401 : vector<1x300xf32> to vector<300xf32>
    %stack3A_403 = vector.shape_cast %squeeze3A_396 : vector<300xf32> to vector<1x300xf32>
    %stack3A_404 = vector.shape_cast %squeeze3A_398 : vector<300xf32> to vector<1x300xf32>
    %stack3A_405 = vector.shape_cast %squeeze3A_400 : vector<300xf32> to vector<1x300xf32>
    %stack3A_406 = vector.shape_cast %squeeze3A_402 : vector<300xf32> to vector<1x300xf32>
    %stack3A_407 = vector.shape_cast %slice3A_389 : vector<300xf32> to vector<1x300xf32>
    %stack3A_408 = vector.shape_cast %slice3A_392 : vector<300xf32> to vector<1x300xf32>
    %stack3A_409 = tpu.concatenate %stack3A_403, %stack3A_404, %stack3A_405, %stack3A_406, %stack3A_407, %stack3A_408 in 0 : vector<1x300xf32>, vector<1x300xf32>, vector<1x300xf32>, vector<1x300xf32>, vector<1x300xf32>, vector<1x300xf32> -> vector<6x300xf32>
    %broadcast_in_dim3A_410 = vector.shape_cast %gt3A_394 : vector<300xi1> to vector<1x300xi1>
    %jit3A_411 = arith.constant 0.000000e+00 : f32
    %broadcast_in_dim3A_412 = vector.shape_cast %broadcast_in_dim3A_410 : vector<1x300xi1> to vector<1x300xi1>
    %broadcast_in_dim3A_413 = vector.broadcast %broadcast_in_dim3A_412 : vector<1x300xi1> to vector<6x300xi1>
    %broadcast_in_dim3A_414 = vector.broadcast %jit3A_411 : f32 to vector<6x300xf32>
    %select_n3A_415 = arith.select %broadcast_in_dim3A_413, %stack3A_409, %broadcast_in_dim3A_414 : vector<6x300xi1>, vector<6x300xf32>
    %swap3A_416 = arith.constant 0 : index
    %swap3A_417 = arith.constant 0 : index
    %swap3A_418 = vector.load %arg15[%swap3A_416, %swap3A_417] : memref<6x300xf32, #tpu.memory_space<vmem>>, vector<6x300xf32>
    tpu.vector_store %arg15[%swap3A_416, %swap3A_417], %select_n3A_415 {strides = array<i32>} : memref<6x300xf32, #tpu.memory_space<vmem>>, vector<6x300xf32>,
    %slice3A_419 = vector.extract_strided_slice %get3A_37 {offsets = [36, 0], sizes = [3, 128], strides = [1, 1]} : vector<96x128xf32> to vector<3x128xf32>
    %reshape3A_420 = vector.shape_cast %slice3A_419 : vector<3x128xf32> to vector<384xf32>
    %slice3A_421 = vector.extract_strided_slice %reshape3A_420 {offsets = [0], sizes = [300], strides = [1]} : vector<384xf32> to vector<300xf32>
    %slice3A_422 = vector.extract_strided_slice %get3A_37 {offsets = [84, 0], sizes = [3, 128], strides = [1, 1]} : vector<96x128xf32> to vector<3x128xf32>
    %reshape3A_423 = vector.shape_cast %slice3A_422 : vector<3x128xf32> to vector<384xf32>
    %slice3A_424 = vector.extract_strided_slice %reshape3A_423 {offsets = [0], sizes = [300], strides = [1]} : vector<384xf32> to vector<300xf32>
    %gt3A_425 = vector.broadcast %get3A_41 : f32 to vector<300xf32>
    %gt3A_426 = arith.cmpf ogt, %slice3A_421, %gt3A_425 : vector<300xf32>
    %slice3A_427 = vector.extract_strided_slice %mul3A_17 {offsets = [12, 0], sizes = [1, 300], strides = [1, 1]} : vector<16x300xf32> to vector<1x300xf32>
    %squeeze3A_428 = vector.shape_cast %slice3A_427 : vector<1x300xf32> to vector<300xf32>
    %slice3A_429 = vector.extract_strided_slice %mul3A_23 {offsets = [12, 0], sizes = [1, 300], strides = [1, 1]} : vector<16x300xf32> to vector<1x300xf32>
    %squeeze3A_430 = vector.shape_cast %slice3A_429 : vector<1x300xf32> to vector<300xf32>
    %slice3A_431 = vector.extract_strided_slice %mul3A_28 {offsets = [12, 0], sizes = [1, 300], strides = [1, 1]} : vector<16x300xf32> to vector<1x300xf32>
    %squeeze3A_432 = vector.shape_cast %slice3A_431 : vector<1x300xf32> to vector<300xf32>
    %slice3A_433 = vector.extract_strided_slice %mul3A_34 {offsets = [12, 0], sizes = [1, 300], strides = [1, 1]} : vector<16x300xf32> to vector<1x300xf32>
    %squeeze3A_434 = vector.shape_cast %slice3A_433 : vector<1x300xf32> to vector<300xf32>
    %stack3A_435 = vector.shape_cast %squeeze3A_428 : vector<300xf32> to vector<1x300xf32>
    %stack3A_436 = vector.shape_cast %squeeze3A_430 : vector<300xf32> to vector<1x300xf32>
    %stack3A_437 = vector.shape_cast %squeeze3A_432 : vector<300xf32> to vector<1x300xf32>
    %stack3A_438 = vector.shape_cast %squeeze3A_434 : vector<300xf32> to vector<1x300xf32>
    %stack3A_439 = vector.shape_cast %slice3A_421 : vector<300xf32> to vector<1x300xf32>
    %stack3A_440 = vector.shape_cast %slice3A_424 : vector<300xf32> to vector<1x300xf32>
    %stack3A_441 = tpu.concatenate %stack3A_435, %stack3A_436, %stack3A_437, %stack3A_438, %stack3A_439, %stack3A_440 in 0 : vector<1x300xf32>, vector<1x300xf32>, vector<1x300xf32>, vector<1x300xf32>, vector<1x300xf32>, vector<1x300xf32> -> vector<6x300xf32>
    %broadcast_in_dim3A_442 = vector.shape_cast %gt3A_426 : vector<300xi1> to vector<1x300xi1>
    %jit3A_443 = arith.constant 0.000000e+00 : f32
    %broadcast_in_dim3A_444 = vector.shape_cast %broadcast_in_dim3A_442 : vector<1x300xi1> to vector<1x300xi1>
    %broadcast_in_dim3A_445 = vector.broadcast %broadcast_in_dim3A_444 : vector<1x300xi1> to vector<6x300xi1>
    %broadcast_in_dim3A_446 = vector.broadcast %jit3A_443 : f32 to vector<6x300xf32>
    %select_n3A_447 = arith.select %broadcast_in_dim3A_445, %stack3A_441, %broadcast_in_dim3A_446 : vector<6x300xi1>, vector<6x300xf32>
    %swap3A_448 = arith.constant 0 : index
    %swap3A_449 = arith.constant 0 : index
    %swap3A_450 = vector.load %arg16[%swap3A_448, %swap3A_449] : memref<6x300xf32, #tpu.memory_space<vmem>>, vector<6x300xf32>
    tpu.vector_store %arg16[%swap3A_448, %swap3A_449], %select_n3A_447 {strides = array<i32>} : memref<6x300xf32, #tpu.memory_space<vmem>>, vector<6x300xf32>,
    %slice3A_451 = vector.extract_strided_slice %get3A_37 {offsets = [39, 0], sizes = [3, 128], strides = [1, 1]} : vector<96x128xf32> to vector<3x128xf32>
    %reshape3A_452 = vector.shape_cast %slice3A_451 : vector<3x128xf32> to vector<384xf32>
    %slice3A_453 = vector.extract_strided_slice %reshape3A_452 {offsets = [0], sizes = [300], strides = [1]} : vector<384xf32> to vector<300xf32>
    %slice3A_454 = vector.extract_strided_slice %get3A_37 {offsets = [87, 0], sizes = [3, 128], strides = [1, 1]} : vector<96x128xf32> to vector<3x128xf32>
    %reshape3A_455 = vector.shape_cast %slice3A_454 : vector<3x128xf32> to vector<384xf32>
    %slice3A_456 = vector.extract_strided_slice %reshape3A_455 {offsets = [0], sizes = [300], strides = [1]} : vector<384xf32> to vector<300xf32>
    %gt3A_457 = vector.broadcast %get3A_41 : f32 to vector<300xf32>
    %gt3A_458 = arith.cmpf ogt, %slice3A_453, %gt3A_457 : vector<300xf32>
    %slice3A_459 = vector.extract_strided_slice %mul3A_17 {offsets = [13, 0], sizes = [1, 300], strides = [1, 1]} : vector<16x300xf32> to vector<1x300xf32>
    %squeeze3A_460 = vector.shape_cast %slice3A_459 : vector<1x300xf32> to vector<300xf32>
    %slice3A_461 = vector.extract_strided_slice %mul3A_23 {offsets = [13, 0], sizes = [1, 300], strides = [1, 1]} : vector<16x300xf32> to vector<1x300xf32>
    %squeeze3A_462 = vector.shape_cast %slice3A_461 : vector<1x300xf32> to vector<300xf32>
    %slice3A_463 = vector.extract_strided_slice %mul3A_28 {offsets = [13, 0], sizes = [1, 300], strides = [1, 1]} : vector<16x300xf32> to vector<1x300xf32>
    %squeeze3A_464 = vector.shape_cast %slice3A_463 : vector<1x300xf32> to vector<300xf32>
    %slice3A_465 = vector.extract_strided_slice %mul3A_34 {offsets = [13, 0], sizes = [1, 300], strides = [1, 1]} : vector<16x300xf32> to vector<1x300xf32>
    %squeeze3A_466 = vector.shape_cast %slice3A_465 : vector<1x300xf32> to vector<300xf32>
    %stack3A_467 = vector.shape_cast %squeeze3A_460 : vector<300xf32> to vector<1x300xf32>
    %stack3A_468 = vector.shape_cast %squeeze3A_462 : vector<300xf32> to vector<1x300xf32>
    %stack3A_469 = vector.shape_cast %squeeze3A_464 : vector<300xf32> to vector<1x300xf32>
    %stack3A_470 = vector.shape_cast %squeeze3A_466 : vector<300xf32> to vector<1x300xf32>
    %stack3A_471 = vector.shape_cast %slice3A_453 : vector<300xf32> to vector<1x300xf32>
    %stack3A_472 = vector.shape_cast %slice3A_456 : vector<300xf32> to vector<1x300xf32>
    %stack3A_473 = tpu.concatenate %stack3A_467, %stack3A_468, %stack3A_469, %stack3A_470, %stack3A_471, %stack3A_472 in 0 : vector<1x300xf32>, vector<1x300xf32>, vector<1x300xf32>, vector<1x300xf32>, vector<1x300xf32>, vector<1x300xf32> -> vector<6x300xf32>
    %broadcast_in_dim3A_474 = vector.shape_cast %gt3A_458 : vector<300xi1> to vector<1x300xi1>
    %jit3A_475 = arith.constant 0.000000e+00 : f32
    %broadcast_in_dim3A_476 = vector.shape_cast %broadcast_in_dim3A_474 : vector<1x300xi1> to vector<1x300xi1>
    %broadcast_in_dim3A_477 = vector.broadcast %broadcast_in_dim3A_476 : vector<1x300xi1> to vector<6x300xi1>
    %broadcast_in_dim3A_478 = vector.broadcast %jit3A_475 : f32 to vector<6x300xf32>
    %select_n3A_479 = arith.select %broadcast_in_dim3A_477, %stack3A_473, %broadcast_in_dim3A_478 : vector<6x300xi1>, vector<6x300xf32>
    %swap3A_480 = arith.constant 0 : index
    %swap3A_481 = arith.constant 0 : index
    %swap3A_482 = vector.load %arg17[%swap3A_480, %swap3A_481] : memref<6x300xf32, #tpu.memory_space<vmem>>, vector<6x300xf32>
    tpu.vector_store %arg17[%swap3A_480, %swap3A_481], %select_n3A_479 {strides = array<i32>} : memref<6x300xf32, #tpu.memory_space<vmem>>, vector<6x300xf32>,
    %slice3A_483 = vector.extract_strided_slice %get3A_37 {offsets = [42, 0], sizes = [3, 128], strides = [1, 1]} : vector<96x128xf32> to vector<3x128xf32>
    %reshape3A_484 = vector.shape_cast %slice3A_483 : vector<3x128xf32> to vector<384xf32>
    %slice3A_485 = vector.extract_strided_slice %reshape3A_484 {offsets = [0], sizes = [300], strides = [1]} : vector<384xf32> to vector<300xf32>
    %slice3A_486 = vector.extract_strided_slice %get3A_37 {offsets = [90, 0], sizes = [3, 128], strides = [1, 1]} : vector<96x128xf32> to vector<3x128xf32>
    %reshape3A_487 = vector.shape_cast %slice3A_486 : vector<3x128xf32> to vector<384xf32>
    %slice3A_488 = vector.extract_strided_slice %reshape3A_487 {offsets = [0], sizes = [300], strides = [1]} : vector<384xf32> to vector<300xf32>
    %gt3A_489 = vector.broadcast %get3A_41 : f32 to vector<300xf32>
    %gt3A_490 = arith.cmpf ogt, %slice3A_485, %gt3A_489 : vector<300xf32>
    %slice3A_491 = vector.extract_strided_slice %mul3A_17 {offsets = [14, 0], sizes = [1, 300], strides = [1, 1]} : vector<16x300xf32> to vector<1x300xf32>
    %squeeze3A_492 = vector.shape_cast %slice3A_491 : vector<1x300xf32> to vector<300xf32>
    %slice3A_493 = vector.extract_strided_slice %mul3A_23 {offsets = [14, 0], sizes = [1, 300], strides = [1, 1]} : vector<16x300xf32> to vector<1x300xf32>
    %squeeze3A_494 = vector.shape_cast %slice3A_493 : vector<1x300xf32> to vector<300xf32>
    %slice3A_495 = vector.extract_strided_slice %mul3A_28 {offsets = [14, 0], sizes = [1, 300], strides = [1, 1]} : vector<16x300xf32> to vector<1x300xf32>
    %squeeze3A_496 = vector.shape_cast %slice3A_495 : vector<1x300xf32> to vector<300xf32>
    %slice3A_497 = vector.extract_strided_slice %mul3A_34 {offsets = [14, 0], sizes = [1, 300], strides = [1, 1]} : vector<16x300xf32> to vector<1x300xf32>
    %squeeze3A_498 = vector.shape_cast %slice3A_497 : vector<1x300xf32> to vector<300xf32>
    %stack3A_499 = vector.shape_cast %squeeze3A_492 : vector<300xf32> to vector<1x300xf32>
    %stack3A_500 = vector.shape_cast %squeeze3A_494 : vector<300xf32> to vector<1x300xf32>
    %stack3A_501 = vector.shape_cast %squeeze3A_496 : vector<300xf32> to vector<1x300xf32>
    %stack3A_502 = vector.shape_cast %squeeze3A_498 : vector<300xf32> to vector<1x300xf32>
    %stack3A_503 = vector.shape_cast %slice3A_485 : vector<300xf32> to vector<1x300xf32>
    %stack3A_504 = vector.shape_cast %slice3A_488 : vector<300xf32> to vector<1x300xf32>
    %stack3A_505 = tpu.concatenate %stack3A_499, %stack3A_500, %stack3A_501, %stack3A_502, %stack3A_503, %stack3A_504 in 0 : vector<1x300xf32>, vector<1x300xf32>, vector<1x300xf32>, vector<1x300xf32>, vector<1x300xf32>, vector<1x300xf32> -> vector<6x300xf32>
    %broadcast_in_dim3A_506 = vector.shape_cast %gt3A_490 : vector<300xi1> to vector<1x300xi1>
    %jit3A_507 = arith.constant 0.000000e+00 : f32
    %broadcast_in_dim3A_508 = vector.shape_cast %broadcast_in_dim3A_506 : vector<1x300xi1> to vector<1x300xi1>
    %broadcast_in_dim3A_509 = vector.broadcast %broadcast_in_dim3A_508 : vector<1x300xi1> to vector<6x300xi1>
    %broadcast_in_dim3A_510 = vector.broadcast %jit3A_507 : f32 to vector<6x300xf32>
    %select_n3A_511 = arith.select %broadcast_in_dim3A_509, %stack3A_505, %broadcast_in_dim3A_510 : vector<6x300xi1>, vector<6x300xf32>
    %swap3A_512 = arith.constant 0 : index
    %swap3A_513 = arith.constant 0 : index
    %swap3A_514 = vector.load %arg18[%swap3A_512, %swap3A_513] : memref<6x300xf32, #tpu.memory_space<vmem>>, vector<6x300xf32>
    tpu.vector_store %arg18[%swap3A_512, %swap3A_513], %select_n3A_511 {strides = array<i32>} : memref<6x300xf32, #tpu.memory_space<vmem>>, vector<6x300xf32>,
    %slice3A_515 = vector.extract_strided_slice %get3A_37 {offsets = [45, 0], sizes = [3, 128], strides = [1, 1]} : vector<96x128xf32> to vector<3x128xf32>
    %reshape3A_516 = vector.shape_cast %slice3A_515 : vector<3x128xf32> to vector<384xf32>
    %slice3A_517 = vector.extract_strided_slice %reshape3A_516 {offsets = [0], sizes = [300], strides = [1]} : vector<384xf32> to vector<300xf32>
    %slice3A_518 = vector.extract_strided_slice %get3A_37 {offsets = [93, 0], sizes = [3, 128], strides = [1, 1]} : vector<96x128xf32> to vector<3x128xf32>
    %reshape3A_519 = vector.shape_cast %slice3A_518 : vector<3x128xf32> to vector<384xf32>
    %slice3A_520 = vector.extract_strided_slice %reshape3A_519 {offsets = [0], sizes = [300], strides = [1]} : vector<384xf32> to vector<300xf32>
    %gt3A_521 = vector.broadcast %get3A_41 : f32 to vector<300xf32>
    %gt3A_522 = arith.cmpf ogt, %slice3A_517, %gt3A_521 : vector<300xf32>
    %slice3A_523 = vector.extract_strided_slice %mul3A_17 {offsets = [15, 0], sizes = [1, 300], strides = [1, 1]} : vector<16x300xf32> to vector<1x300xf32>
    %squeeze3A_524 = vector.shape_cast %slice3A_523 : vector<1x300xf32> to vector<300xf32>
    %slice3A_525 = vector.extract_strided_slice %mul3A_23 {offsets = [15, 0], sizes = [1, 300], strides = [1, 1]} : vector<16x300xf32> to vector<1x300xf32>
    %squeeze3A_526 = vector.shape_cast %slice3A_525 : vector<1x300xf32> to vector<300xf32>
    %slice3A_527 = vector.extract_strided_slice %mul3A_28 {offsets = [15, 0], sizes = [1, 300], strides = [1, 1]} : vector<16x300xf32> to vector<1x300xf32>
    %squeeze3A_528 = vector.shape_cast %slice3A_527 : vector<1x300xf32> to vector<300xf32>
    %slice3A_529 = vector.extract_strided_slice %mul3A_34 {offsets = [15, 0], sizes = [1, 300], strides = [1, 1]} : vector<16x300xf32> to vector<1x300xf32>
    %squeeze3A_530 = vector.shape_cast %slice3A_529 : vector<1x300xf32> to vector<300xf32>
    %stack3A_531 = vector.shape_cast %squeeze3A_524 : vector<300xf32> to vector<1x300xf32>
    %stack3A_532 = vector.shape_cast %squeeze3A_526 : vector<300xf32> to vector<1x300xf32>
    %stack3A_533 = vector.shape_cast %squeeze3A_528 : vector<300xf32> to vector<1x300xf32>
    %stack3A_534 = vector.shape_cast %squeeze3A_530 : vector<300xf32> to vector<1x300xf32>
    %stack3A_535 = vector.shape_cast %slice3A_517 : vector<300xf32> to vector<1x300xf32>
    %stack3A_536 = vector.shape_cast %slice3A_520 : vector<300xf32> to vector<1x300xf32>
    %stack3A_537 = tpu.concatenate %stack3A_531, %stack3A_532, %stack3A_533, %stack3A_534, %stack3A_535, %stack3A_536 in 0 : vector<1x300xf32>, vector<1x300xf32>, vector<1x300xf32>, vector<1x300xf32>, vector<1x300xf32>, vector<1x300xf32> -> vector<6x300xf32>
    %broadcast_in_dim3A_538 = vector.shape_cast %gt3A_522 : vector<300xi1> to vector<1x300xi1>
    %jit3A_539 = arith.constant 0.000000e+00 : f32
    %broadcast_in_dim3A_540 = vector.shape_cast %broadcast_in_dim3A_538 : vector<1x300xi1> to vector<1x300xi1>
    %broadcast_in_dim3A_541 = vector.broadcast %broadcast_in_dim3A_540 : vector<1x300xi1> to vector<6x300xi1>
    %broadcast_in_dim3A_542 = vector.broadcast %jit3A_539 : f32 to vector<6x300xf32>
    %select_n3A_543 = arith.select %broadcast_in_dim3A_541, %stack3A_537, %broadcast_in_dim3A_542 : vector<6x300xi1>, vector<6x300xf32>
    %swap3A_544 = arith.constant 0 : index
    %swap3A_545 = arith.constant 0 : index
    %swap3A_546 = vector.load %arg19[%swap3A_544, %swap3A_545] : memref<6x300xf32, #tpu.memory_space<vmem>>, vector<6x300xf32>
    tpu.vector_store %arg19[%swap3A_544, %swap3A_545], %select_n3A_543 {strides = array<i32>} : memref<6x300xf32, #tpu.memory_space<vmem>>, vector<6x300xf32>,
    return
  }
}

</mosaic_0001>

<sc_bundles>
// kernel: kernel.4.cloned.1.call-start
scs
__scs_entry_jumppad:
0x0: {  	(pc) =	sbr.rel $0x88, $3  }
0x1: {  	(tag) =	ssettag $0x0;
	lr =	simm.s32 $0x1  }
0x2: {  	[smem:$0x3F9D] =	sst lr;
	_ =	strace $0xD0000000  }
0x3: {  	_ = 	snop  }
0x4: {  	_ = 	snop  }
0x5: {  	_ = 	snop  }
0x6: {  	_ = 	snop  }
0x7: {  	_ = 	snop  }
__scs_overlays_trampoline_lowered:
0x8: {  	[smem:$0x3FAC] =	sst s0  }
0x9: {  	[smem:$0x3FAD] =	sst s1  }
0xa: {  	[smem:$0x3FAE] =	sst s2  }
0xb: {  	[smem:$0x3FAF] =	sst s3  }
0xc: {  	[smem:$0x3FB0] =	sst s4  }
0xd: {  	[smem:$0x3FB1] =	sst s5  }
0xe: {  	[smem:$0x3FB2] =	sst s6  }
0xf: {  	[smem:$0x3FB3] =	sst s7  }
0x10: {  	[smem:$0x3FB4] =	sst s8  }
0x11: {  	[smem:$0x3FB5] =	sst s9;
	s0 =	simm.s32 @!p0 $0x0  }
0x12: {  	s1 =	sld [smem:$0x3F9B];
	s0 =	simm.s32 @p0 $0x1  }
0x13: {  	[smem:$0x3FB6] =	sst s0;
	s0 =	simm.s32 @!p1 $0x0  }
0x14: {  	s2 =	sld [smem:$0x3F9A];
	s0 =	simm.s32 @p1 $0x1  }
0x15: {  	[smem:$0x3FB7] =	sst s0;
	s0 =	simm.s32 @!p2 $0x0  }
0x16: {  	s3 =	sld [smem:$0x3FDB];
	s0 =	simm.s32 @p2 $0x1  }
0x17: {  	s4 =	simm.s32 $0x1BF5;
	[smem:$0x3FB9] =	sst s0  }
0x18: {  	s0 =	sld [smem:$0x3F9C];
	_ =	swait.ge [sflag:s4], $0x0  }
0x19: {  	s7 =	sld [smem:$0x3F9D]  }
0x1a: {  	s8 =	sadd.s32 $0xFFFFE003, lr  }
0x1b: {  	s9 =	sadd.s32 $0xFFFFFEF7, lr;
	s5 =	simm.s32 $0xFFFFFFFF;
	p2 =	slt.u32 s8, $0xFFFFF086  }
0x1c: {  	p1 =	slt.u32 s9, $0xF7A;
	s5 =	simm.s32 @!p2 $0x0  }
0x1d: {  	s5 =	simm.s32 @p1 $0x1;
	p0 =	seq.s32 s7, s2  }
0x1e: {  	s7 =	smul.u32 @!p0 $0xF7A, s2;
	p2 =	seq.s32 @!p0 s5, $0x0  }
0x1f: {  	s9 =	smul.u32 $0xF7A, s1;
	s8 =	simm.s32 @!p0 $0x1BF5;
	p2 =	por !p2, p0  }
0x20: {  	[sflag:s8] =	ssyncset.s32 @!p0 $0xFFFFF086;
	s6 =	sadd.s32 @!p0 s3, s7;
	s7 =	simm.s32 @!p0 $0x108  }
0x21: {  	s3 =	sadd.s32 s3, s9;
	s6 =	sadd.s32 @!p0 $0x88, s6;
	s7 =	simm.s32 @p2 $0x1082  }
0x22: {  	[simem:s7], [sflag:s8] =	dma.local @!p0 [hbm:s6], $0xF7A  }
0x23: {  	s9 =	sor.u32 $0xD0000000, s2;
	s6 =	simm.s32 $0x108;
	_ =	swait.ge @!p0 [sflag:s8], $0x0  }
0x24: {  	s3 =	sadd.s32 $0x88, s3;
	s6 =	simm.s32 @!p1 $0x1082;
	[sflag:s4] =	ssyncset.s32 $0xFFFFF086  }
0x25: {  	[simem:s6], [sflag:s4] =	dma.local [hbm:s3], $0xF7A  }
0x26: {  	[smem:$0x3F9D] =	sst s1;
	(tag) =	ssettag s2;
	_ =	strace s9  }
0x27: {  	s1 =	sld [smem:$0x3FAD]  }
0x28: {  	s2 =	sld [smem:$0x3FAE]  }
0x29: {  	s4 =	sld [smem:$0x3FB0]  }
0x2a: {  	p0 =	seq.s32 s5, $0x0;
	s5 =	sld [smem:$0x3FB1]  }
0x2b: {  	s6 =	sld [smem:$0x3FB2]  }
0x2c: {  	s7 =	sld [smem:$0x3FB3]  }
0x2d: {  	s3 =	simm.s32 $0x108;
	s8 =	sld [smem:$0x3FB4]  }
0x2e: {  	s3 =	simm.s32 @!p0 $0x1082;
	s9 =	sld [smem:$0x3FB5]  }
0x2f: {  	lr =	sadd.s32 s0, s3;
	s0 =	sld [smem:$0x3FAC]  }
0x30: {  	s3 =	sld [smem:$0x3FAF]  }
0x31: {  	[smem:$0x3FB8] =	sst s10  }
0x32: {  	s10 =	sld [smem:$0x3FB6];
	_ =	sdelay $0x3  }
0x33: {  	p0 =	seq.s32 s10, $0x1;
	s10 =	sld [smem:$0x3FB8];
	_ =	sdelay $0x3  }
0x34: {  	[smem:$0x3FB8] =	sst s10  }
0x35: {  	s10 =	sld [smem:$0x3FB7];
	_ =	sdelay $0x3  }
0x36: {  	p1 =	seq.s32 s10, $0x1;
	s10 =	sld [smem:$0x3FB8];
	_ =	sdelay $0x3  }
0x37: {  	[smem:$0x3FB8] =	sst s10  }
0x38: {  	s10 =	sld [smem:$0x3FB9]  }
0x39: {  	_ = 	snop;
	(pc) =	sbr.ind lr, $3  }
0x3a: {  	_ = 	snop  }
0x3b: {  	_ = 	snop  }
0x3c: {  	p2 =	seq.s32 s10, $0x1;
	s10 =	sld [smem:$0x3FB8]  }
0x3d: {  	_ =	shalt  }
0x3e: {  	_ =	shalt  }
0x3f: {  	_ =	shalt  }
0x40: {  	_ =	shalt  }
0x41: {  	_ =	shalt  }
0x42: {  	_ =	shalt  }
0x43: {  	_ =	shalt  }
0x44: {  	_ =	shalt  }
0x45: {  	_ =	shalt  }
0x46: {  	_ =	shalt  }
0x47: {  	_ =	shalt  }
0x48: {  	_ =	shalt  }
0x49: {  	_ =	shalt  }
0x4a: {  	_ =	shalt  }
0x4b: {  	_ =	shalt  }
0x4c: {  	_ =	shalt  }
0x4d: {  	_ =	shalt  }
0x4e: {  	_ =	shalt  }
0x4f: {  	_ =	shalt  }
0x50: {  	_ =	shalt  }
0x51: {  	_ =	shalt  }
0x52: {  	_ =	shalt  }
0x53: {  	_ =	shalt  }
0x54: {  	_ =	shalt  }
0x55: {  	_ =	shalt  }
0x56: {  	_ =	shalt  }
0x57: {  	_ =	shalt  }
0x58: {  	_ =	shalt  }
0x59: {  	_ =	shalt  }
0x5a: {  	_ =	shalt  }
0x5b: {  	_ =	shalt  }
0x5c: {  	_ =	shalt  }
0x5d: {  	_ =	shalt  }
0x5e: {  	_ =	shalt  }
0x5f: {  	_ =	shalt  }
0x60: {  	_ =	shalt  }
0x61: {  	_ =	shalt  }
0x62: {  	_ =	shalt  }
0x63: {  	_ =	shalt  }
0x64: {  	_ =	shalt  }
0x65: {  	_ =	shalt  }
0x66: {  	_ =	shalt  }
0x67: {  	_ =	shalt  }
0x68: {  	_ =	shalt  }
0x69: {  	_ =	shalt  }
0x6a: {  	_ =	shalt  }
0x6b: {  	_ =	shalt  }
0x6c: {  	_ =	shalt  }
0x6d: {  	_ =	shalt  }
0x6e: {  	_ =	shalt  }
0x6f: {  	_ =	shalt  }
0x70: {  	_ =	shalt  }
0x71: {  	_ =	shalt  }
0x72: {  	_ =	shalt  }
0x73: {  	_ =	shalt  }
0x74: {  	_ =	shalt  }
0x75: {  	_ =	shalt  }
0x76: {  	_ =	shalt  }
0x77: {  	_ =	shalt  }
0x78: {  	_ =	shalt  }
0x79: {  	_ =	shalt  }
0x7a: {  	_ =	shalt  }
0x7b: {  	_ =	shalt  }
0x7c: {  	_ =	shalt  }
0x7d: {  	_ =	shalt  }
0x7e: {  	_ =	shalt  }
0x7f: {  	_ =	shalt  }
0x80: {  	_ =	shalt  }
0x81: {  	_ =	shalt  }
0x82: {  	_ =	shalt  }
0x83: {  	_ =	shalt  }
0x84: {  	_ =	shalt  }
0x85: {  	_ =	shalt  }
0x86: {  	_ =	shalt  }
0x87: {  	_ =	shalt  }
.Lfunc_end0:
.L_simem_size_0:
called_computation_lowered:
.L_overlay_start_0:
0x88: {  	s2 =	sld [smem:$0x3FD9]  }
0x89: {  	s3 =	sld [smem:$0x3FFE];
	_ =	sdelay $0x1  }
0x8a: {  	s1 =	srdreg.scid  }
0x8b: {  	s0 =	sand.u32 $0x1, s1  }
0x8c: {  	s16 =	sshll.u32 s0, $0xA;
	s2 =	sadd.s32 s3, s2  }
0x8d: {  	s2 =	sadd.s32 s2, s16  }
0x8e: {  	[smem:$0x3FC4] =	sst s2  }
0x8f: {  	_ = 	snop  }
0x90: {  	(tm) =	ssettm $0x1  }
0x91: {  	s17 =	sld [smem:$0x3FFB];
	_ =	sdelay $0x3  }
0x92: {  	_ =	strace s17  }
0x93: {  	s2 =	sld [smem:$0x3FFC];
	_ =	sdelay $0x3  }
0x94: {  	_ =	strace s2  }
0x95: {  	s2 =	sld [smem:$0x3FFD];
	_ =	sdelay $0x3  }
0x96: {  	_ =	strace s2  }
0x97: {  	_ =	strace $0x8FFFFFFF  }
0x98: {  	s18 =	sld [smem:$0x3FDB];
	_ =	sdelay $0x1  }
0x99: {  	s19 =	simm.s32 $_scs_section_size  }
0x9a: {  	s4 =	simm.s32 $_size__tile_overlayer_lowered;
	s5 =	simm.s32 $_tile_overlayer_lowered  }
0x9b: {  	s22 =	simm.s32 $0x1BFF;
	s21 =	sshll.u32 s5, $0x1;
	s2 =	sadd.s32 s19, s18  }
0x9c: {  	s6 =	simm.s32 $0x0;
	s20 =	sshll.u32 s4, $0x1;
	s4 =	sadd.s32 s21, s2  }
0x9d: {  	[timem:s6], [sflag:s22] =	dma.local [hbm:s4], s20  }
0x9e: {  	_ =	swait.ge [sflag:s22], s20  }
0x9f: {  	s3 =	ssub.s32 $0x0, s20;
	[sflag:s22] =	ssyncset.done $0x0  }
0xa0: {  	[sflag:s22] =	ssyncadd.s32 s3;
	_ =	sdelay $0x1  }
0xa1: {  	s23 =	simm.s32 $0x1B8B  }
0xa2: {  	_ =	swait.ge [sflag:s23], $0x1  }
0xa3: {  	[sflag:s23] =	ssyncset.done $0x0  }
0xa4: {  	s25 =	simm.s32 $0x1B8E;
	s24 =	sld [smem:$0x3FFE];
	[sflag:s23] =	ssyncadd.s32 $0xFFFFFFFF  }
0xa5: {  	s26 =	simm.s32 $execute0_lowered;
	[smem:$0x3FD2] =	sst s25  }
0xa6: {  	s4 =	sshll.u32 s26, $0x1;
	_ =	strace $0x80000046;
	[dreg:$0x1] =	wrdreg $0xFFFFFFFF  }
0xa7: {  	s28 =	simm.s32 $_size_execute0_lowered;
	s2 =	sadd.s32 s2, s4;
	[dreg:$0x0] =	wrdreg $0x0  }
0xa8: {  	s4 =	sshll.u32 s28, $0x1;
	[dreg:$0x2] =	wrdreg s2  }
0xa9: {  	[dreg:$0x3] =	wrdreg s4  }
0xaa: {  	[dreg:$0x4] =	wrdreg $0xC0  }
0xab: {  	_ =	task [dreg:s6], $0x5FFFF  }
0xac: {  	[dreg:$0x1] =	wrdreg $0xFFFFFFFF  }
0xad: {  	[dreg:$0x0] =	wrdreg $0x60  }
0xae: {  	[dreg:$0x2] =	wrdreg s24  }
0xaf: {  	[dreg:$0x3] =	wrdreg $0x9  }
0xb0: {  	_ =	task.clear_ibuf [dreg:s6], $0x4FFFF;
	_ =	strace $0x90000046  }
0xb1: {  	s29 =	simm.s32 $0x9;
	_ =	strace $0x80000048  }
0xb2: {  	_ =	swait.ge [sflag:s29], $0x1  }
0xb3: {  	[sflag:s29] =	ssyncadd.s32 $0xFFFFFFFF  }
0xb4: {  	_ =	strace $0x90000048  }
0xb5: {  	_ =	sfence  }
0xb6: {  	s30 =	sld [smem:$0x0];
	_ =	sdelay $0x2  }
0xb7: {  	s31 =	sshll.u32 s1, $0xD;
	s1 =	sshrl.u32 s1, $0x2  }
0xb8: {  	s3 =	sand.u32 $0x4000, s31;
	s1 =	sadd.s32 s1, s30  }
0xb9: {  	s0 =	sor.u32 s3, s0;
	s1 =	sshll.u32 s1, $0x11  }
0xba: {  	s0 =	sor.u32 s1, s0  }
0xbb: {  	s0 =	sadd.s32 $0x8F2B, s0  }
0xbc: {  	[sflag:s0] =	ssyncadd.remote.s32 $0x1  }
0xbd: {  	_ =	sfence.sel $0xFFFF  }
0xbe: {  	[dreg:$0x0] =	wrdreg $0xFFFFFFFF;
	(pc) =	sbr.abs _section_cstart, $3  }
0xbf: {  	[dreg:$0x1] =	wrdreg $0xFFFFFFFF  }
0xc0: {  	_ =	task.clear_ibuf [dreg:s6], $0x2FFFF;
	_ =	strace $0x9FFFFFFF  }
0xc1: {  	(tm) =	ssettm $0x7FFFFFFF  }
tec
execute0_lowered:
.L_overlay_start_1:
0x0: {  	(tag) =	ssettag $0x1  }
0x1: {  	s1 =	srdreg.scid  }
0x2: {  	s0 =	stileid.u32;
	s4 =	sand.u32 $0x1, s1  }
0x3: {  	s1 =	sor.u32 s4, s0  }
0x4: {  	p1 =	seq.s32 s4, $0x1;
	p0 =	seq.s32 s1, $0x0  }
0x5: {  	s6 =	rddreg [dreg:$0x0];
	p0 =	por !p0, !p1  }
0x6: {  	s2 =	simm.s32 $0x0;
	s1 =	simm.s32 $0x1;
	p0 =	por !p0, !p0  }
0x7: {  	s10 =	simm.s32 $0x1800;
	s11 =	simm.s32 $0x3A20;
	s1 =	simm.s32 @!p0 $0x0  }
0x8: {  	s12 =	simm.s32 $0x0;
	[smem:$0x7FF] =	sst s2;
	s3 =	ssub.s32 s0, s1  }
0x9: {  	s9 =	sadd.s32 $0x12000, s6;
	p0 =	seq.s32 s4, $0x0;
	s5 =	smul.u32 $0x180, s3  }
0xa: {  	s4 =	ssub.s32 $0x2, s4;
	s1 =	rddreg [dreg:$0x1];
	_ =	strace $0x80000047  }
0xb: {  	s30 =	sshrl.u32 s4, $0x1;
	s10 =	simm.s32 @!p0 $0x1890;
	s7 =	sadd.s32 $0x90, s5  }
0xc: {  	s3 =	smul.u32 $0x30, s3;
	s4 =	ssub.s32 s4, s30;
	s7 =	sshrl.u32 s7, $0x3  }
0xd: {  	s4 =	smax.u32 s4, $0x1;
	s10 =	sadd.s32 s10, s5;
	s8 =	smov.u32 s7  }
0xe: {  	s31 =	sshrl.u32 s10, $0x3;
	s10 =	simm.s32 $0x3980;
	s8 =	smov.u32 @p0 s3  }
0xf: {  	s3 =	simm.s32 $0x1;
	s8 =	sadd.s32 s8, s6;
	s6 =	sshrl.u32 s5, $0x3  }
0x10: {  	s7 =	smov.u32 @p0 s6;
	s5 =	sadd.s32 $0xC00, s8;
	s8 =	sadd.s32 s9, s31  }
0x11: {  	s6 =	sadd.s32 s9, s7;
	s7 =	simm.s32 $0x1800;
	s9 =	simm.s32 $0xA0  }
.LBB2_1:
0x12: {  	[tilespmem:s2], [sflag:$0x1] =	stream.strided.gather [hbm4b:s5+s9], $0x3980, s7, s9, $0x38;
	[tilespmem:$0x3AC0] =	vst v63  }
0x13: {  	_ =	swait.ge [sflag:s3], $0x3980  }
0x14: {  	[sflag:s3] =	ssyncset.done $0x0  }
0x15: {  	s13 =	simm.s32 $0x140;
	s14 =	simm.s32 $0x0;
	[sflag:s3] =	ssyncadd.s32 $0xFFFFC680  }
.LBB2_2:
0x16: {  	v0 =	vmov s13;
	_ =	sdelay $0x3  }
0x17: {  	s15 =	simm.s32 $0x0  }
0x18: {  	v1 =	vld.idx.msk [tilespmem:v0+s15+$0xA0 ss:$0x1], $0xffff  }
0x19: {  	v3 =	vld.idx.msk [tilespmem:v0+s15+$0xFFFFFEC0 ss:$0x1], $0xffff  }
0x1a: {  	v4 =	vld.idx.msk [tilespmem:v0+s15+$0xFFFFFF60 ss:$0x1], $0xffff  }
0x1b: {  	v5 =	vimm.f32 $0.0e+00;
	v6 =	vld.idx.msk [tilespmem:v0+s15+$0x0 ss:$0x1], $0xffff  }
0x1c: {  	v7 =	vadd.f32 $3.000000000e+00, v5  }
0x1d: {  	v2 =	vimm.f32 $-Inf;
	s17 =	simm.s32 $0x280;
	v8 =	vadd.f32 $1.000000000e+00, v5;
	v9 =	vadd.f32 $2.000000000e+00, v5  }
0x1e: {  	v17 =	vadd.f32 $4.000000000e+00, v5;
	v26 =	vld.idx.msk [tilespmem:v0+s17+$0xA0 ss:$0x1], $0xffff;
	vm0 =	vgt.f32 v1, v2;
	vm1 =	vgt.f32 v3, v2  }
0x1f: {  	v24 =	vld.idx.msk [tilespmem:v0+s17+$0xFFFFFEC0 ss:$0x1], $0xffff;
	v25 =	vmax.f32 v2, v3;
	vm14 =	vgt.f32 v4, v2;
	v22 =	vmax.f32 v2, v4  }
0x20: {  	v21 =	vld.idx.msk [tilespmem:v0+s17+$0xFFFFFF60 ss:$0x1], $0xffff;
	vm15 =	vgt.f32 v6, v2;
	v20 =	vmax.f32 v2, v6;
	v13 =	vsel vm0, v7, v5  }
0x21: {  	s16 =	simm.s32 $0x1400;
	s15 =	sshll.u32 s14, $0x4;
	v23 =	vld.idx.msk [tilespmem:v0+s17+$0x0 ss:$0x1], $0xffff;
	v16 =	vsel vm1, v5, v5;
	v19 =	vsel vm14, v8, v5;
	v18 =	vsel vm15, v9, v5  }
.LBB2_3:
0x22: {  	s17 =	sshra.s32 s16, $0x2;
	p0 =	sne.s32 s16, $0xD200;
	s16 =	sadd.s32 $0xA00, s16;
	v3 =	vadd.f32 $1.000000000e+00, v17;
	v4 =	vadd.f32 $3.000000000e+00, v17;
	v2 =	vmax.f32 v2, v1  }
.Ltmp0:
0x23: {  	v5 =	vadd.f32 $2.000000000e+00, v17;
	v1 =	vmov v26;
	vm0 =	vgt.f32 v26, v2;
	v26 =	vld.idx.msk [tilespmem:v0+s17+$0xA0 ss:$0x1], $0xffff;
	(pc) =	sbr.rel @p0 .LBB2_3-.Ltmp0, $4  }
0x24: {  	vm1 =	vgt.f32 v24, v25;
	v25 =	vmax.f32 v25, v24;
	v13 =	vsel vm0, v4, v13;
	v24 =	vld.idx.msk [tilespmem:v0+s17+$0xFFFFFEC0 ss:$0x1], $0xffff  }
0x25: {  	v16 =	vsel vm1, v17, v16;
	vm0 =	vgt.f32 v21, v22;
	v22 =	vmax.f32 v22, v21;
	v21 =	vld.idx.msk [tilespmem:v0+s17+$0xFFFFFF60 ss:$0x1], $0xffff  }
0x26: {  	v17 =	vadd.f32 $4.000000000e+00, v17;
	vm1 =	vgt.f32 v23, v20;
	v20 =	vmax.f32 v20, v23;
	v23 =	vld.idx.msk [tilespmem:v0+s17+$0x0 ss:$0x1], $0xffff  }
0x27: {  	v19 =	vsel vm0, v3, v19;
	v18 =	vsel vm1, v5, v18  }
0x28: {  	v6 =	vld [tilespmem:s15+$0x3700]  }
0x29: {  	v7 =	vld [tilespmem:s15+$0x37A0]  }
0x2a: {  	v4 =	vld [tilespmem:s15+$0x3840];
	_ =	sdelay $0x2  }
0x2b: {  	v27 =	vmax.f32 v2, v1;
	v15 =	vld [tilespmem:s15+$0x38E0];
	s16 =	simm.s32 $0x0;
	v10 =	vmax.f32 v25, v24  }
0x2c: {  	v3 =	vmax.f32 v27, v26;
	v28 =	vld.idx.msk [tilespmem:v0+s16+$0xA0 ss:$0x1], $0xffff;
	v12 =	vmax.f32 v22, v21;
	v11 =	vmax.f32 v20, v23  }
0x2d: {  	v8 =	vmax.f32 v10, v6;
	v9 =	vmax.f32 v12, v7;
	v5 =	vmax.f32 v11, v4  }
0x2e: {  	v1 =	vmax.f32 v8, v9;
	v2 =	vmax.f32 v5, v3  }
0x2f: {  	v29 =	vld.idx.msk [tilespmem:v0+s16+$0xFFFFFEC0 ss:$0x1], $0xffff;
	v14 =	vmax.f32 v1, v2  }
0x30: {  	v30 =	vld.idx.msk [tilespmem:v0+s16+$0xFFFFFF60 ss:$0x1], $0xffff;
	v15 =	vmax.f32 v14, v15  }
0x31: {  	s30 =	simm.s32 $0x280;
	v31 =	vld.idx.msk [tilespmem:v0+s16+$0x0 ss:$0x1], $0xffff;
	v28 =	vsub.f32 v28, v15  }
0x32: {  	vm0 =	vgt.f32 v26, v27;
	v26 =	vld.idx.msk [tilespmem:v0+s30+$0xA0 ss:$0x1], $0xffff  }
0x33: {  	vm1 =	vgt.f32 v24, v25;
	v24 =	vld.idx.msk [tilespmem:v0+s30+$0xFFFFFF60 ss:$0x1], $0xffff;
	v28 =	vmul.f32 $1.442695020e+00, v28  }
0x34: {  	v32 =	vld.idx.msk [tilespmem:v0+s30+$0xFFFFFEC0 ss:$0x1], $0xffff;
	vm14 =	vgt.f32 v21, v22;
	v27 =	vsub.f32 v29, v15  }
0x35: {  	v29 =	vadd.f32 $3.000000000e+00, v17;
	v30 =	vsub.f32 v30, v15;
	(erf) = vpow2.f32 v28;
	v28 =	vld.idx.msk [tilespmem:v0+s30+$0x0 ss:$0x1], $0xffff  }
0x36: {  	s31 =	simm.s32 $0x500;
	vm15 =	vgt.f32 v23, v20;
	v25 =	vmul.f32 $1.442695020e+00, v27;
	v27 =	vsub.f32 v31, v15  }
0x37: {  	v26 =	vsub.f32 v26, v15;
	v13 =	vsel vm0, v29, v13;
	v29 =	vmul.f32 $1.442695020e+00, v30;
	v30 =	vld.idx.msk [tilespmem:v0+s31+$0xA0 ss:$0x1], $0xffff  }
0x38: {  	v22 =	vsub.f32 v24, v15;
	v27 =	vmul.f32 $1.442695020e+00, v27;
	(erf) = vpow2.f32 v25  }
0x39: {  	v31 =	vsub.f32 v32, v15;
	v25 =	vadd.f32 $1.000000000e+00, v17;
	(erf) = vpow2.f32 v29  }
0x3a: {  	v21 =	vld.idx.msk [tilespmem:v0+s31+$0xFFFFFEC0 ss:$0x1], $0xffff;
	v24 =	vmul.f32 $1.442695020e+00, v26;
	(erf) = vpow2.f32 v27;
	v26 =	vsub.f32 v28, v15  }
0x3b: {  	v23 =	vld.idx.msk [tilespmem:v0+s31+$0xFFFFFF60 ss:$0x1], $0xffff;
	v22 =	vmul.f32 $1.442695020e+00, v22;
	v20 =	vmul.f32 $1.442695020e+00, v31;
	v19 =	vsel vm14, v25, v19  }
0x3c: {  	(erf) = vpow2.f32 v24;
	v25 =	vmul.f32 $1.442695020e+00, v26;
	v26 =	vsub.f32 v30, v15  }
0x3d: {  	v27 =	vld.idx.msk [tilespmem:v0+s31+$0x0 ss:$0x1], $0xffff;
	(erf) = vpow2.f32 v20  }
0x3e: {  	(erf) = vpow2.f32 v22;
	v28 =	vmul.f32 $1.442695020e+00, v26  }
0x3f: {  	s17 =	simm.s32 $0x780;
	v16 =	vsel vm1, v17, v16;
	v29 =	vadd.f32 $2.000000000e+00, v17;
	(erf) = vpow2.f32 v25  }
0x40: {  	v23 =	vsub.f32 v23, v15;
	v24 =	vld.idx.msk [tilespmem:v0+s17+$0xA0 ss:$0x1], $0xffff;
	v22 =	vsub.f32 v21, v15;
	v21 =	vpop (erf);
	(erf) = vpow2.f32 v28  }
0x41: {  	v17 =	vadd.f32 $4.000000000e+00, v17;
	v18 =	vsel vm15, v29, v18;
	v20 =	vimm.f32 $0.0e+00;
	v25 =	vld.idx.msk [tilespmem:v0+s17+$0xFFFFFEC0 ss:$0x1], $0xffff;
	v31 =	vpop (erf)  }
0x42: {  	v29 =	vmul.f32 $1.442695020e+00, v22;
	v30 =	vsub.f32 v27, v15;
	v26 =	vld.idx.msk [tilespmem:v0+s17+$0xFFFFFF60 ss:$0x1], $0xffff;
	v21 =	vadd.f32 v21, v20;
	v63 =	vpop (erf)  }
0x43: {  	s16 =	simm.s32 $0x2800;
	v27 =	vld.idx.msk [tilespmem:v0+s17+$0x0 ss:$0x1], $0xffff;
	v22 =	vadd.f32 v31, v20;
	v31 =	vmul.f32 $1.442695020e+00, v23;
	v23 =	vadd.f32 v63, v20;
	v28 =	vpop (erf)  }
.LBB2_5:
0x44: {  	s17 =	sshra.s32 s16, $0x2;
	p0 =	sne.s32 s16, $0xDC00;
	s16 =	sadd.s32 $0xA00, s16;
	v34 =	vmul.f32 $1.442695020e+00, v30;
	(erf) = vpow2.f32 v29;
	v20 =	vadd.f32 v28, v20  }
.Ltmp1:
0x45: {  	v28 =	vsub.f32 v24, v15;
	v24 =	vld.idx.msk [tilespmem:v0+s17+$0xA0 ss:$0x1], $0xffff;
	(erf) = vpow2.f32 v31;
	(pc) =	sbr.rel @p0 .LBB2_5-.Ltmp1, $4  }
0x46: {  	v29 =	vsub.f32 v25, v15;
	v25 =	vld.idx.msk [tilespmem:v0+s17+$0xFFFFFEC0 ss:$0x1], $0xffff;
	(erf) = vpow2.f32 v34;
	v30 =	vpop (erf)  }
0x47: {  	v31 =	vsub.f32 v26, v15;
	v33 =	vmul.f32 $1.442695020e+00, v28;
	v26 =	vld.idx.msk [tilespmem:v0+s17+$0xFFFFFF60 ss:$0x1], $0xffff;
	v21 =	vadd.f32 v30, v21;
	v32 =	vpop (erf)  }
0x48: {  	v29 =	vmul.f32 $1.442695020e+00, v29;
	v30 =	vsub.f32 v27, v15;
	v27 =	vld.idx.msk [tilespmem:v0+s17+$0x0 ss:$0x1], $0xffff;
	v22 =	vadd.f32 v32, v22;
	v32 =	vpop (erf)  }
0x49: {  	v31 =	vmul.f32 $1.442695020e+00, v31;
	(erf) = vpow2.f32 v33;
	v23 =	vadd.f32 v32, v23;
	v28 =	vpop (erf)  }
0x4a: {  	v0 =	vsub.f32 v24, v15  }
0x4b: {  	v40 =	vmul.f32 $1.442695020e+00, v30;
	(erf) = vpow2.f32 v29;
	v25 =	vsub.f32 v25, v15  }
0x4c: {  	(erf) = vpow2.f32 v31;
	v26 =	vsub.f32 v26, v15;
	v0 =	vmul.f32 $1.442695020e+00, v0  }
0x4d: {  	(erf) = vpow2.f32 v40;
	v41 =	vmul.f32 $1.442695020e+00, v25;
	v42 =	vsub.f32 v27, v15  }
0x4e: {  	v26 =	vmul.f32 $1.442695020e+00, v26;
	(erf) = vpow2.f32 v0  }
0x4f: {  	v43 =	vpop (erf);
	v25 =	vmul.f32 $1.442695020e+00, v42;
	(erf) = vpow2.f32 v41  }
0x50: {  	v44 =	vpop (erf);
	(erf) = vpow2.f32 v26  }
0x51: {  	v45 =	vpop (erf);
	(erf) = vpow2.f32 v25  }
0x52: {  	v46 =	vpop (erf)  }
0x53: {  	v47 =	vpop (erf)  }
0x54: {  	v29 =	vpop (erf)  }
0x55: {  	v20 =	vadd.f32 v28, v20;
	v48 =	vpop (erf)  }
0x56: {  	v0 =	vadd.f32 v43, v21;
	v49 =	vadd.f32 v44, v22;
	v50 =	vpop (erf)  }
0x57: {  	v23 =	vadd.f32 v45, v23;
	v20 =	vadd.f32 v46, v20;
	v51 =	vpop (erf)  }
0x58: {  	v0 =	vadd.f32 v47, v0;
	v21 =	vadd.f32 v29, v49;
	v52 =	vpop (erf)  }
0x59: {  	v23 =	vadd.f32 v48, v23;
	v20 =	vadd.f32 v50, v20;
	v53 =	vpop (erf)  }
0x5a: {  	v0 =	vadd.f32 v51, v0;
	v21 =	vadd.f32 v52, v21;
	v54 =	vpop (erf)  }
0x5b: {  	v22 =	vadd.f32 v53, v23;
	v20 =	vadd.f32 v54, v20  }
0x5c: {  	v14 =	vsub.f32 v14, v15  }
0x5d: {  	v55 =	vadd.f32 v22, v21;
	v0 =	vadd.f32 v0, v20  }
0x5e: {  	v14 =	vmul.f32 $1.442695020e+00, v14  }
0x5f: {  	v0 =	vadd.f32 v0, v55  }
0x60: {  	(erf) = vpow2.f32 v14  }
0x61: {  	(erf) = vrcp.f32 v0;
	_ =	sdelay $0x1  }
0x62: {  	v56 =	vadd.f32 $1.000000000e+00, v17  }
0x63: {  	vm0 =	vgt.f32 v6, v10;
	vm1 =	vgt.f32 v7, v12;
	v57 =	vadd.f32 $2.000000000e+00, v17  }
0x64: {  	vm9 =	vgt.f32 v4, v11;
	vm10 =	vgt.f32 v9, v8;
	vm11 =	veq.f32 v9, v8  }
0x65: {  	vm12 =	vgt.f32 v3, v5;
	vm13 =	veq.f32 v3, v5;
	v4 =	vsel vm9, v57, v18  }
0x66: {  	s14 =	sadd.s32 $0x1, s14;
	v6 =	vsel vm0, v17, v16;
	v60 =	vsel vm12, v13, v4;
	v0 =	vsel vm1, v56, v19  }
0x67: {  	p0 =	sne.s32 s14, $0xA;
	v61 =	vmin.f32 v4, v13;
	v58 =	vsel vm10, v0, v6;
	v0 =	vmin.f32 v6, v0  }
.Ltmp2:
0x68: {  	vm14 =	vgt.f32 v2, v1;
	v3 =	vsel vm13, v61, v60;
	v59 =	vpop (erf);
	v0 =	vsel vm11, v0, v58;
	(pc) =	sbr.rel @p0 .LBB2_2-.Ltmp2, $4  }
0x69: {  	vm15 =	veq.f32 v2, v1;
	v63 =	vsel vm14, v3, v0;
	v0 =	vmin.f32 v0, v3;
	v62 =	vpop (erf)  }
0x6a: {  	v0 =	vsel vm15, v0, v63;
	v4 =	vmul.f32 v62, v59  }
0x6b: {  	[tilespmem:s15+$0x3A20] =	vst v0  }
0x6c: {  	s13 =	sadd.s32 $0x10, s13;
	[tilespmem:s15+$0x3980] =	vst v4  }
0x6d: {  	[hbm4b:s6+s2] =	stream.linear.scatter [tilespmem:s10], [sflag:$0x1], $0xA0, $0x38;
	[tilespmem:$0x3AC0] =	vst v63  }
0x6e: {  	s12 =	sadd.s32 $0x1, s12;
	_ =	swait.ge [sflag:s3], $0xA0  }
0x6f: {  	p0 =	sne.s32 s12, s4;
	[sflag:s3] =	ssyncset.done $0x0  }
.Ltmp3:
0x70: {  	[sflag:s3] =	ssyncadd.s32 $0xFFFFFF60;
	(pc) =	sbr.rel @p0 .LBB2_1-.Ltmp3, $4  }
0x71: {  	[hbm4b:s8+s2] =	stream.linear.scatter [tilespmem:s11], [sflag:$0x1], $0xA0, $0x38;
	[tilespmem:$0x3AC0] =	vst v63  }
0x72: {  	_ =	swait.ge [sflag:s3], $0xA0  }
0x73: {  	[sflag:s3] =	ssyncset.done $0x0  }
0x74: {  	[sflag:s3] =	ssyncadd.s32 $0xFFFFFF60  }
0x75: {  	_ =	sfence.sel $0x180000  }
0x76: {  	[bflag:$0x0] =	sbarrier.arrive $0xFFFF  }
0x77: {  	p0 =	sne.s32 s0, $0x0;
	_ =	strace $0x90000047  }
0x78: {  	s0 =	sadd.s32 @!p0 $0x100000, s1;
	[bflag:$0x2] =	sbarrier.arrive $0xFFFF  }
0x79: {  	[sflag:s0] =	ssyncadd.tile.s32 @!p0 $0x1;
	_ =	shalt  }
.Lfunc_end2:
_tile_overlayer_lowered:
.L_overlay_start_2:
0x7a: {  	(tag) =	ssettag $0x2  }
0x7b: {  	s0 =	rddreg [dreg:$0x0];
	s2 =	stileid.u32  }
0x7c: {  	s1 =	rddreg [dreg:$0x1];
	p0 =	sne.s32 s2, $0x0  }
0x7d: {  	s3 =	rddreg [dreg:$0x2];
	[bflag:$0x3] =	sbarrier.arrive $0xFFFF;
	s2 =	simm.s32 @!p0 $0x1C01  }
0x7e: {  	[timem:s3], [sflag:s2] =	dma.local @!p0 [hbm:s0], s1  }
0x7f: {  	s0 =	simm.s32 @!p0 $0x1  }
0x80: {  	_ =	swait.ge @!p0 [sflag:s0], s1  }
0x81: {  	s1 =	ssub.s32 @!p0 $0x0, s1;
	[sflag:s0] =	ssyncset.done @!p0 $0x0  }
0x82: {  	[sflag:s0] =	ssyncadd.s32 @!p0 s1  }
0x83: {  	[bflag:$0x3] =	sbarrier.arrive $0xFFFF  }
0x84: {  	_ =	shalt  }

</sc_bundles>
